<compile_context>
chip_gen: v7x
topology: tpu7x:2x2x1
jax: 0.10.2.dev20260603
libtpu: 0.0.44.dev20260713+nightly
codegen_flags: <defaults>
</compile_context>

<pallas_src>
import functools
import math

import jax
import jax.numpy as jnp
from jax import lax
from jax.experimental import pallas as pl
from jax.experimental.pallas import tpu as pltpu
from jax.experimental.pallas import tpu_sc as plsc

D_MODEL = 64
SCALE = math.sqrt(D_MODEL)

NUM_CORES = 2
NUM_SUBCORES = 16
NUM_WORKERS = NUM_CORES * NUM_SUBCORES

CHUNK = 128
NBUF = 2


def _emb_body(x_hbm, table_hbm, out_hbm, idx_v, in0, in1, ou0, ou1,
              gs0, gs1, os0, os1, *, per_w, n_chunks):
    wid = lax.axis_index("s") * NUM_CORES + lax.axis_index("c")
    base = wid * per_w
    ins, outs = (in0, in1), (ou0, ou1)
    gsems, osems = (gs0, gs1), (os0, os1)

    pltpu.sync_copy(x_hbm.at[pl.ds(base, per_w)], idx_v)

    def idx_slice(ci):
        off = pl.multiple_of(ci * CHUNK, CHUNK)
        return idx_v.at[pl.ds(off, CHUNK)]

    def out_slice(off):
        return out_hbm.at[pl.ds(off, CHUNK), pl.ds(0, D_MODEL)]

    for b in range(NBUF):
        pltpu.async_copy(table_hbm.at[idx_slice(b)], ins[b], gsems[b])

    def group(g, carry):
        for b in range(NBUF):
            ci = g * NBUF + b
            pltpu.make_async_copy(table_hbm.at[idx_slice(ci)], ins[b],
                                  gsems[b]).wait()

            @pl.when(g > 0)
            def _():
                pltpu.make_async_copy(outs[b], out_slice(base), osems[b]).wait()

            @plsc.parallel_loop(0, CHUNK, unroll=8)
            def _(j):
                for k in range(D_MODEL // 16):
                    sl = pl.ds(k * 16, 16)
                    outs[b][j, sl] = ins[b][j, sl] * SCALE

            pltpu.async_copy(outs[b], out_slice(base + ci * CHUNK), osems[b])

            @pl.when(ci < n_chunks - NBUF)
            def _():
                pltpu.async_copy(table_hbm.at[idx_slice(ci + NBUF)], ins[b],
                                 gsems[b])
        return carry

    lax.fori_loop(0, n_chunks // NBUF, group, 0)

    for b in range(NBUF):
        pltpu.make_async_copy(outs[b], out_slice(base), osems[b]).wait()


REPACK_BV = 8192


def _repack_body(t_ref, o_ref):
    blk = t_ref[...]
    half = REPACK_BV // 2
    stacked = jnp.concatenate([blk[:, :half], blk[:, half:]], axis=0)
    o_ref[...] = jnp.transpose(stacked)


def _repack_table(table):
    vocab, d = table.shape
    grid = -(-vocab // REPACK_BV)
    rep = pl.pallas_call(
        _repack_body,
        grid=(grid,),
        in_specs=[pl.BlockSpec((d, REPACK_BV), lambda g: (0, g))],
        out_specs=pl.BlockSpec((REPACK_BV // 2, 2 * d), lambda g: (g, 0)),
        out_shape=jax.ShapeDtypeStruct((grid * REPACK_BV // 2, 2 * d),
                                       jnp.float32),
    )
    return rep(table.T).reshape(grid * REPACK_BV, d)


def kernel(x, table):
    b0, b1 = x.shape
    n_total = b0 * b1
    assert n_total % (NUM_WORKERS * CHUNK * NBUF) == 0
    per_w = n_total // NUM_WORKERS
    n_chunks = per_w // CHUNK

    mesh = plsc.VectorSubcoreMesh(core_axis_name="c", subcore_axis_name="s")
    emb = functools.partial(
        pl.kernel,
        mesh=mesh,
        out_type=jax.ShapeDtypeStruct((n_total, 2 * D_MODEL), jnp.float32),
        scratch_types=[
            pltpu.VMEM((per_w,), jnp.int32),
            pltpu.VMEM((CHUNK, D_MODEL), jnp.float32),
            pltpu.VMEM((CHUNK, D_MODEL), jnp.float32),
            pltpu.VMEM((CHUNK, D_MODEL), jnp.float32),
            pltpu.VMEM((CHUNK, D_MODEL), jnp.float32),
            pltpu.SemaphoreType.DMA,
            pltpu.SemaphoreType.DMA,
            pltpu.SemaphoreType.DMA,
            pltpu.SemaphoreType.DMA,
        ],
        compiler_params=pltpu.CompilerParams(use_tc_tiling_on_sc=False),
    )(functools.partial(_emb_body, per_w=per_w, n_chunks=n_chunks))

    v = jnp.bitwise_and(x, 0x3FFFFF).reshape(n_total)
    half_shift = (REPACK_BV // 2).bit_length() - 1
    x_flat = ((v & ~(REPACK_BV - 1)) + ((v & (REPACK_BV // 2 - 1)) << 1)
              + ((v >> half_shift) & 1))
    out = emb(x_flat, _repack_table(table))
    return out[:, :D_MODEL].reshape(b0, b1, D_MODEL)

# --- scband reference (transcript-rebuilt; emitter-appended) ---
"""Pipeline reference for scband-embedding-55576876810366 (READ-ONLY COPY).

The authoritative reference and input builder live on the scoring server;
editing this copy changes nothing except your own understanding.
"""

import jax, jax.numpy as jnp
import numpy as np
import math

VOCAB = 1000000
D_MODEL = 64

def setup_inputs(seed: int = 0) -> dict:
    key = jax.random.key(seed)
    k1, k2 = jax.random.split(key)
    x = jax.random.randint(k1, (4096, 200), 0, VOCAB, dtype=jnp.int64 if jax.config.jax_enable_x64 else jnp.int32).astype(jnp.int32)
    table = jax.random.normal(k2, (VOCAB, D_MODEL), dtype=jnp.float32)
    return {"x": x, "table": table}

def reference(x, table):
    # nn.Embedding lookup followed by scaling by sqrt(d_model)
    emb = jnp.take(table, x, axis=0)
    return emb * math.sqrt(D_MODEL)

if __name__ == "__main__":
    import jax
    _d = setup_inputs()
    print(jax.jit(kernel)(*tuple(_d.values())))

</pallas_src>

<mosaic_0001>
#map = affine_map<(d0, d1) -> (0)>
#map1 = affine_map<(d0, d1) -> (0, 0)>
module attributes {stable_mosaic.version = 14 : i64} {
  func.func @_emb_body(%arg0: i32, %arg1: i32, %arg2: memref<819200xi32, #tpu.memory_space<hbm>>, %arg3: memref<1007616x64xf32, #tpu.memory_space<hbm>>, %arg4: memref<819200x128xf32, #tpu.memory_space<hbm>>, %arg5: memref<25600xi32, #tpu.memory_space<vmem>>, %arg6: memref<128x64xf32, #tpu.memory_space<vmem>>, %arg7: memref<128x64xf32, #tpu.memory_space<vmem>>, %arg8: memref<128x64xf32, #tpu.memory_space<vmem>>, %arg9: memref<128x64xf32, #tpu.memory_space<vmem>>, %arg10: memref<!tpu.dma_semaphore, #tpu.memory_space<semaphore_mem>>, %arg11: memref<!tpu.dma_semaphore, #tpu.memory_space<semaphore_mem>>, %arg12: memref<!tpu.dma_semaphore, #tpu.memory_space<semaphore_mem>>, %arg13: memref<!tpu.dma_semaphore, #tpu.memory_space<semaphore_mem>>) attributes {dimension_semantics = [#tpu.dimension_semantics<core_parallel>, #tpu.dimension_semantics<subcore_parallel>], iteration_bounds = array<i64: 2, 16>, scalar_prefetch = 0 : i64, scratch_operands = 9 : i64, tpu.core_type = #tpu.core_type<sc_vector_subcore>, window_params = [{transform_indices = #map}, {transform_indices = #map1}, {transform_indices = #map1}]} {
    %mul3A = arith.constant 2 : i32
    %mul3A_0 = arith.muli %arg1, %mul3A : i32
    %add3A = arith.addi %mul3A_0, %arg0 : i32
    %mul3A_1 = arith.constant 25600 : i32
    %mul3A_2 = arith.muli %add3A, %mul3A_1 : i32
    "tpu.region"() ({
      %run_scoped3A = tpu.sem_alloc : memref<!tpu.dma_semaphore, #tpu.memory_space<semaphore_mem>>
      %dma_start3A_25 = tpu.memref_slice %arg2[%mul3A_2] : memref<819200xi32, #tpu.memory_space<hbm>> -> memref<25600xi32, #tpu.memory_space<hbm>>
      %dma_start3A_26 = tpu.memref_slice %arg2[%mul3A_2] : memref<819200xi32, #tpu.memory_space<hbm>> -> memref<25600xi32, #tpu.memory_space<hbm>>
      tpu.enqueue_dma source(%dma_start3A_26 : memref<25600xi32, #tpu.memory_space<hbm>>) target(%arg5 : memref<25600xi32, #tpu.memory_space<vmem>>) target_semaphore(%run_scoped3A : memref<!tpu.dma_semaphore, #tpu.memory_space<semaphore_mem>>)
      %dma_wait3A_27 = tpu.memref_slice %arg2[%mul3A_2] : memref<819200xi32, #tpu.memory_space<hbm>> -> memref<25600xi32, #tpu.memory_space<hbm>>
      %dma_wait3A_28 = tpu.memref_slice %arg2[%mul3A_2] : memref<819200xi32, #tpu.memory_space<hbm>> -> memref<25600xi32, #tpu.memory_space<hbm>>
      tpu.wait_dma2 semaphore(%run_scoped3A : memref<!tpu.dma_semaphore, #tpu.memory_space<semaphore_mem>>) src(%dma_wait3A_28 : memref<25600xi32, #tpu.memory_space<hbm>>) dst(%arg5 : memref<25600xi32, #tpu.memory_space<vmem>>)
      tpu.yield
    }) : () -> ()
    %multiple_of3A = arith.constant 0 : i32
    %multiple_of3A_3 = tpu.assume_multiple %multiple_of3A, 128 : i32
    %dma_start3A = tpu.memref_slice %arg5[%multiple_of3A_3] : memref<25600xi32, #tpu.memory_space<vmem>> -> memref<128xi32, #tpu.memory_space<vmem>>
    %dma_start3A_4 = arith.constant 0 : i32
    %dma_start3A_5 = arith.constant 0 : i32
    %dma_start3A_6 = tpu.memref_slice %arg3[%dma_start3A_4, %dma_start3A_5] : memref<1007616x64xf32, #tpu.memory_space<hbm>> -> memref<1007616x64xf32, #tpu.memory_space<hbm>>
    tpu.enqueue_indirect_dma source(%dma_start3A_6 : memref<1007616x64xf32, #tpu.memory_space<hbm>>) target(%arg6 : memref<128x64xf32, #tpu.memory_space<vmem>>) offsets(%dma_start3A : memref<128xi32, #tpu.memory_space<vmem>>) semaphore(%arg10 : memref<!tpu.dma_semaphore, #tpu.memory_space<semaphore_mem>>)
    %multiple_of3A_7 = arith.constant 128 : i32
    %multiple_of3A_8 = tpu.assume_multiple %multiple_of3A_7, 128 : i32
    %dma_start3A_9 = tpu.memref_slice %arg5[%multiple_of3A_8] : memref<25600xi32, #tpu.memory_space<vmem>> -> memref<128xi32, #tpu.memory_space<vmem>>
    %dma_start3A_10 = arith.constant 0 : i32
    %dma_start3A_11 = arith.constant 0 : i32
    %dma_start3A_12 = tpu.memref_slice %arg3[%dma_start3A_10, %dma_start3A_11] : memref<1007616x64xf32, #tpu.memory_space<hbm>> -> memref<1007616x64xf32, #tpu.memory_space<hbm>>
    tpu.enqueue_indirect_dma source(%dma_start3A_12 : memref<1007616x64xf32, #tpu.memory_space<hbm>>) target(%arg7 : memref<128x64xf32, #tpu.memory_space<vmem>>) offsets(%dma_start3A_9 : memref<128xi32, #tpu.memory_space<vmem>>) semaphore(%arg11 : memref<!tpu.dma_semaphore, #tpu.memory_space<semaphore_mem>>)
    %scan3A = arith.constant 0 : i32
    %scan3A_13 = arith.constant 0 : i32
    %scan3A_14 = arith.constant 100 : i32
    %scan3A_15 = arith.addi %scan3A_13, %scan3A_14 : i32
    %scan3A_16 = arith.constant 1 : i32
    scf.for %scan3A_25 = %scan3A_13 to %scan3A_15 step %scan3A_16  : i32 {
      %mul3A_26 = arith.constant 2 : i32
      %mul3A_27 = arith.muli %scan3A_25, %mul3A_26 : i32
      %add3A_28 = arith.constant 0 : i32
      %add3A_29 = arith.addi %mul3A_27, %add3A_28 : i32
      %mul3A_30 = arith.constant 128 : i32
      %mul3A_31 = arith.muli %add3A_29, %mul3A_30 : i32
      %multiple_of3A_32 = tpu.assume_multiple %mul3A_31, 128 : i32
      %dma_wait3A_33 = tpu.memref_slice %arg5[%multiple_of3A_32] : memref<25600xi32, #tpu.memory_space<vmem>> -> memref<128xi32, #tpu.memory_space<vmem>>
      %dma_wait3A_34 = arith.constant 0 : i32
      %dma_wait3A_35 = arith.constant 0 : i32
      %dma_wait3A_36 = tpu.memref_slice %arg3[%dma_wait3A_34, %dma_wait3A_35] : memref<1007616x64xf32, #tpu.memory_space<hbm>> -> memref<1007616x64xf32, #tpu.memory_space<hbm>>
      tpu.wait_indirect_dma semaphore(%arg10 : memref<!tpu.dma_semaphore, #tpu.memory_space<semaphore_mem>>) src(%dma_wait3A_36 : memref<1007616x64xf32, #tpu.memory_space<hbm>>) dst(%arg6 : memref<128x64xf32, #tpu.memory_space<vmem>>)
      %gt3A = arith.constant 0 : i32
      %gt3A_37 = arith.cmpi sgt, %scan3A_25, %gt3A : i32
      %convert_element_type3A = arith.extui %gt3A_37 : i1 to i32
      %cond3A = arith.constant 0 : i32
      %cond3A_38 = arith.cmpi ne, %convert_element_type3A, %cond3A : i32
      scf.if %cond3A_38 {
        %dma_wait3A_83 = arith.constant 0 : i32
        %dma_wait3A_84 = tpu.memref_slice %arg4[%mul3A_2, %dma_wait3A_83] : memref<819200x128xf32, #tpu.memory_space<hbm>> -> memref<128x64xf32, #tpu.memory_space<hbm>>
        %dma_wait3A_85 = arith.constant 0 : i32
        %dma_wait3A_86 = tpu.memref_slice %arg4[%mul3A_2, %dma_wait3A_85] : memref<819200x128xf32, #tpu.memory_space<hbm>> -> memref<128x64xf32, #tpu.memory_space<hbm>>
        tpu.wait_dma2 semaphore(%arg12 : memref<!tpu.dma_semaphore, #tpu.memory_space<semaphore_mem>>) src(%arg8 : memref<128x64xf32, #tpu.memory_space<vmem>>) dst(%dma_wait3A_86 : memref<128x64xf32, #tpu.memory_space<hbm>>)
      } else {
      }
      %parallel_loop3A = arith.constant 0 : i32
      %parallel_loop3A_39 = arith.constant 128 : i32
      %parallel_loop3A_40 = arith.constant 1 : i32
      scf.for %parallel_loop3A_83 = %parallel_loop3A to %parallel_loop3A_39 step %parallel_loop3A_40  : i32 {
        %parallel_loop3A_84 = arith.index_cast %parallel_loop3A_83 : i32 to index
        %parallel_loop3A_85 = arith.constant 0 : index
        %parallel_loop3A_86 = tpu.vector_load %arg6[%parallel_loop3A_84, %parallel_loop3A_85] {strides = array<i32>} : memref<128x64xf32, #tpu.memory_space<vmem>>, vector<1x16xf32>,
        %parallel_loop3A_87 = vector.shape_cast %parallel_loop3A_86 : vector<1x16xf32> to vector<16xf32>
        %parallel_loop3A_88 = arith.constant 8.000000e+00 : f32
        %parallel_loop3A_89 = vector.broadcast %parallel_loop3A_88 : f32 to vector<16xf32>
        %parallel_loop3A_90 = arith.mulf %parallel_loop3A_87, %parallel_loop3A_89 : vector<16xf32>
        %parallel_loop3A_91 = arith.index_cast %parallel_loop3A_83 : i32 to index
        %parallel_loop3A_92 = arith.constant 0 : index
        %parallel_loop3A_93 = tpu.vector_load %arg8[%parallel_loop3A_91, %parallel_loop3A_92] {strides = array<i32>} : memref<128x64xf32, #tpu.memory_space<vmem>>, vector<1x16xf32>,
        %parallel_loop3A_94 = vector.shape_cast %parallel_loop3A_93 : vector<1x16xf32> to vector<16xf32>
        %parallel_loop3A_95 = vector.shape_cast %parallel_loop3A_90 : vector<16xf32> to vector<1x16xf32>
        tpu.vector_store %arg8[%parallel_loop3A_91, %parallel_loop3A_92], %parallel_loop3A_95 {strides = array<i32>} : memref<128x64xf32, #tpu.memory_space<vmem>>, vector<1x16xf32>,
        %parallel_loop3A_96 = arith.index_cast %parallel_loop3A_83 : i32 to index
        %parallel_loop3A_97 = arith.constant 16 : index
        %parallel_loop3A_98 = tpu.vector_load %arg6[%parallel_loop3A_96, %parallel_loop3A_97] {strides = array<i32>} : memref<128x64xf32, #tpu.memory_space<vmem>>, vector<1x16xf32>,
        %parallel_loop3A_99 = vector.shape_cast %parallel_loop3A_98 : vector<1x16xf32> to vector<16xf32>
        %parallel_loop3A_100 = arith.constant 8.000000e+00 : f32
        %parallel_loop3A_101 = vector.broadcast %parallel_loop3A_100 : f32 to vector<16xf32>
        %parallel_loop3A_102 = arith.mulf %parallel_loop3A_99, %parallel_loop3A_101 : vector<16xf32>
        %parallel_loop3A_103 = arith.index_cast %parallel_loop3A_83 : i32 to index
        %parallel_loop3A_104 = arith.constant 16 : index
        %parallel_loop3A_105 = tpu.vector_load %arg8[%parallel_loop3A_103, %parallel_loop3A_104] {strides = array<i32>} : memref<128x64xf32, #tpu.memory_space<vmem>>, vector<1x16xf32>,
        %parallel_loop3A_106 = vector.shape_cast %parallel_loop3A_105 : vector<1x16xf32> to vector<16xf32>
        %parallel_loop3A_107 = vector.shape_cast %parallel_loop3A_102 : vector<16xf32> to vector<1x16xf32>
        tpu.vector_store %arg8[%parallel_loop3A_103, %parallel_loop3A_104], %parallel_loop3A_107 {strides = array<i32>} : memref<128x64xf32, #tpu.memory_space<vmem>>, vector<1x16xf32>,
        %parallel_loop3A_108 = arith.index_cast %parallel_loop3A_83 : i32 to index
        %parallel_loop3A_109 = arith.constant 32 : index
        %parallel_loop3A_110 = tpu.vector_load %arg6[%parallel_loop3A_108, %parallel_loop3A_109] {strides = array<i32>} : memref<128x64xf32, #tpu.memory_space<vmem>>, vector<1x16xf32>,
        %parallel_loop3A_111 = vector.shape_cast %parallel_loop3A_110 : vector<1x16xf32> to vector<16xf32>
        %parallel_loop3A_112 = arith.constant 8.000000e+00 : f32
        %parallel_loop3A_113 = vector.broadcast %parallel_loop3A_112 : f32 to vector<16xf32>
        %parallel_loop3A_114 = arith.mulf %parallel_loop3A_111, %parallel_loop3A_113 : vector<16xf32>
        %parallel_loop3A_115 = arith.index_cast %parallel_loop3A_83 : i32 to index
        %parallel_loop3A_116 = arith.constant 32 : index
        %parallel_loop3A_117 = tpu.vector_load %arg8[%parallel_loop3A_115, %parallel_loop3A_116] {strides = array<i32>} : memref<128x64xf32, #tpu.memory_space<vmem>>, vector<1x16xf32>,
        %parallel_loop3A_118 = vector.shape_cast %parallel_loop3A_117 : vector<1x16xf32> to vector<16xf32>
        %parallel_loop3A_119 = vector.shape_cast %parallel_loop3A_114 : vector<16xf32> to vector<1x16xf32>
        tpu.vector_store %arg8[%parallel_loop3A_115, %parallel_loop3A_116], %parallel_loop3A_119 {strides = array<i32>} : memref<128x64xf32, #tpu.memory_space<vmem>>, vector<1x16xf32>,
        %parallel_loop3A_120 = arith.index_cast %parallel_loop3A_83 : i32 to index
        %parallel_loop3A_121 = arith.constant 48 : index
        %parallel_loop3A_122 = tpu.vector_load %arg6[%parallel_loop3A_120, %parallel_loop3A_121] {strides = array<i32>} : memref<128x64xf32, #tpu.memory_space<vmem>>, vector<1x16xf32>,
        %parallel_loop3A_123 = vector.shape_cast %parallel_loop3A_122 : vector<1x16xf32> to vector<16xf32>
        %parallel_loop3A_124 = arith.constant 8.000000e+00 : f32
        %parallel_loop3A_125 = vector.broadcast %parallel_loop3A_124 : f32 to vector<16xf32>
        %parallel_loop3A_126 = arith.mulf %parallel_loop3A_123, %parallel_loop3A_125 : vector<16xf32>
        %parallel_loop3A_127 = arith.index_cast %parallel_loop3A_83 : i32 to index
        %parallel_loop3A_128 = arith.constant 48 : index
        %parallel_loop3A_129 = tpu.vector_load %arg8[%parallel_loop3A_127, %parallel_loop3A_128] {strides = array<i32>} : memref<128x64xf32, #tpu.memory_space<vmem>>, vector<1x16xf32>,
        %parallel_loop3A_130 = vector.shape_cast %parallel_loop3A_129 : vector<1x16xf32> to vector<16xf32>
        %parallel_loop3A_131 = vector.shape_cast %parallel_loop3A_126 : vector<16xf32> to vector<1x16xf32>
        tpu.vector_store %arg8[%parallel_loop3A_127, %parallel_loop3A_128], %parallel_loop3A_131 {strides = array<i32>} : memref<128x64xf32, #tpu.memory_space<vmem>>, vector<1x16xf32>,
      } {sc.loop_unroll_factor = 8 : i64, sc.parallel_access}
      %mul3A_41 = arith.constant 128 : i32
      %mul3A_42 = arith.muli %add3A_29, %mul3A_41 : i32
      %add3A_43 = arith.addi %mul3A_2, %mul3A_42 : i32
      %dma_start3A_44 = arith.constant 0 : i32
      %dma_start3A_45 = tpu.memref_slice %arg4[%add3A_43, %dma_start3A_44] : memref<819200x128xf32, #tpu.memory_space<hbm>> -> memref<128x64xf32, #tpu.memory_space<hbm>>
      %dma_start3A_46 = arith.constant 0 : i32
      %dma_start3A_47 = tpu.memref_slice %arg4[%add3A_43, %dma_start3A_46] : memref<819200x128xf32, #tpu.memory_space<hbm>> -> memref<128x64xf32, #tpu.memory_space<hbm>>
      tpu.enqueue_dma source(%arg8 : memref<128x64xf32, #tpu.memory_space<vmem>>) target(%dma_start3A_47 : memref<128x64xf32, #tpu.memory_space<hbm>>) target_semaphore(%arg12 : memref<!tpu.dma_semaphore, #tpu.memory_space<semaphore_mem>>)
      %lt3A = arith.constant 198 : i32
      %lt3A_48 = arith.cmpi slt, %add3A_29, %lt3A : i32
      %convert_element_type3A_49 = arith.extui %lt3A_48 : i1 to i32
      %cond3A_50 = arith.constant 0 : i32
      %cond3A_51 = arith.cmpi ne, %convert_element_type3A_49, %cond3A_50 : i32
      scf.if %cond3A_51 {
        %add3A_83 = arith.constant 2 : i32
        %add3A_84 = arith.addi %add3A_29, %add3A_83 : i32
        %mul3A_85 = arith.constant 128 : i32
        %mul3A_86 = arith.muli %add3A_84, %mul3A_85 : i32
        %multiple_of3A_87 = tpu.assume_multiple %mul3A_86, 128 : i32
        %dma_start3A_88 = tpu.memref_slice %arg5[%multiple_of3A_87] : memref<25600xi32, #tpu.memory_space<vmem>> -> memref<128xi32, #tpu.memory_space<vmem>>
        %dma_start3A_89 = arith.constant 0 : i32
        %dma_start3A_90 = arith.constant 0 : i32
        %dma_start3A_91 = tpu.memref_slice %arg3[%dma_start3A_89, %dma_start3A_90] : memref<1007616x64xf32, #tpu.memory_space<hbm>> -> memref<1007616x64xf32, #tpu.memory_space<hbm>>
        tpu.enqueue_indirect_dma source(%dma_start3A_91 : memref<1007616x64xf32, #tpu.memory_space<hbm>>) target(%arg6 : memref<128x64xf32, #tpu.memory_space<vmem>>) offsets(%dma_start3A_88 : memref<128xi32, #tpu.memory_space<vmem>>) semaphore(%arg10 : memref<!tpu.dma_semaphore, #tpu.memory_space<semaphore_mem>>)
      } else {
      }
      %mul3A_52 = arith.constant 2 : i32
      %mul3A_53 = arith.muli %scan3A_25, %mul3A_52 : i32
      %add3A_54 = arith.constant 1 : i32
      %add3A_55 = arith.addi %mul3A_53, %add3A_54 : i32
      %mul3A_56 = arith.constant 128 : i32
      %mul3A_57 = arith.muli %add3A_55, %mul3A_56 : i32
      %multiple_of3A_58 = tpu.assume_multiple %mul3A_57, 128 : i32
      %dma_wait3A_59 = tpu.memref_slice %arg5[%multiple_of3A_58] : memref<25600xi32, #tpu.memory_space<vmem>> -> memref<128xi32, #tpu.memory_space<vmem>>
      %dma_wait3A_60 = arith.constant 0 : i32
      %dma_wait3A_61 = arith.constant 0 : i32
      %dma_wait3A_62 = tpu.memref_slice %arg3[%dma_wait3A_60, %dma_wait3A_61] : memref<1007616x64xf32, #tpu.memory_space<hbm>> -> memref<1007616x64xf32, #tpu.memory_space<hbm>>
      tpu.wait_indirect_dma semaphore(%arg11 : memref<!tpu.dma_semaphore, #tpu.memory_space<semaphore_mem>>) src(%dma_wait3A_62 : memref<1007616x64xf32, #tpu.memory_space<hbm>>) dst(%arg7 : memref<128x64xf32, #tpu.memory_space<vmem>>)
      %gt3A_63 = arith.constant 0 : i32
      %gt3A_64 = arith.cmpi sgt, %scan3A_25, %gt3A_63 : i32
      %convert_element_type3A_65 = arith.extui %gt3A_64 : i1 to i32
      %cond3A_66 = arith.constant 0 : i32
      %cond3A_67 = arith.cmpi ne, %convert_element_type3A_65, %cond3A_66 : i32
      scf.if %cond3A_67 {
        %dma_wait3A_83 = arith.constant 0 : i32
        %dma_wait3A_84 = tpu.memref_slice %arg4[%mul3A_2, %dma_wait3A_83] : memref<819200x128xf32, #tpu.memory_space<hbm>> -> memref<128x64xf32, #tpu.memory_space<hbm>>
        %dma_wait3A_85 = arith.constant 0 : i32
        %dma_wait3A_86 = tpu.memref_slice %arg4[%mul3A_2, %dma_wait3A_85] : memref<819200x128xf32, #tpu.memory_space<hbm>> -> memref<128x64xf32, #tpu.memory_space<hbm>>
        tpu.wait_dma2 semaphore(%arg13 : memref<!tpu.dma_semaphore, #tpu.memory_space<semaphore_mem>>) src(%arg9 : memref<128x64xf32, #tpu.memory_space<vmem>>) dst(%dma_wait3A_86 : memref<128x64xf32, #tpu.memory_space<hbm>>)
      } else {
      }
      %parallel_loop3A_68 = arith.constant 0 : i32
      %parallel_loop3A_69 = arith.constant 128 : i32
      %parallel_loop3A_70 = arith.constant 1 : i32
      scf.for %parallel_loop3A_83 = %parallel_loop3A_68 to %parallel_loop3A_69 step %parallel_loop3A_70  : i32 {
        %parallel_loop3A_84 = arith.index_cast %parallel_loop3A_83 : i32 to index
        %parallel_loop3A_85 = arith.constant 0 : index
        %parallel_loop3A_86 = tpu.vector_load %arg7[%parallel_loop3A_84, %parallel_loop3A_85] {strides = array<i32>} : memref<128x64xf32, #tpu.memory_space<vmem>>, vector<1x16xf32>,
        %parallel_loop3A_87 = vector.shape_cast %parallel_loop3A_86 : vector<1x16xf32> to vector<16xf32>
        %parallel_loop3A_88 = arith.constant 8.000000e+00 : f32
        %parallel_loop3A_89 = vector.broadcast %parallel_loop3A_88 : f32 to vector<16xf32>
        %parallel_loop3A_90 = arith.mulf %parallel_loop3A_87, %parallel_loop3A_89 : vector<16xf32>
        %parallel_loop3A_91 = arith.index_cast %parallel_loop3A_83 : i32 to index
        %parallel_loop3A_92 = arith.constant 0 : index
        %parallel_loop3A_93 = tpu.vector_load %arg9[%parallel_loop3A_91, %parallel_loop3A_92] {strides = array<i32>} : memref<128x64xf32, #tpu.memory_space<vmem>>, vector<1x16xf32>,
        %parallel_loop3A_94 = vector.shape_cast %parallel_loop3A_93 : vector<1x16xf32> to vector<16xf32>
        %parallel_loop3A_95 = vector.shape_cast %parallel_loop3A_90 : vector<16xf32> to vector<1x16xf32>
        tpu.vector_store %arg9[%parallel_loop3A_91, %parallel_loop3A_92], %parallel_loop3A_95 {strides = array<i32>} : memref<128x64xf32, #tpu.memory_space<vmem>>, vector<1x16xf32>,
        %parallel_loop3A_96 = arith.index_cast %parallel_loop3A_83 : i32 to index
        %parallel_loop3A_97 = arith.constant 16 : index
        %parallel_loop3A_98 = tpu.vector_load %arg7[%parallel_loop3A_96, %parallel_loop3A_97] {strides = array<i32>} : memref<128x64xf32, #tpu.memory_space<vmem>>, vector<1x16xf32>,
        %parallel_loop3A_99 = vector.shape_cast %parallel_loop3A_98 : vector<1x16xf32> to vector<16xf32>
        %parallel_loop3A_100 = arith.constant 8.000000e+00 : f32
        %parallel_loop3A_101 = vector.broadcast %parallel_loop3A_100 : f32 to vector<16xf32>
        %parallel_loop3A_102 = arith.mulf %parallel_loop3A_99, %parallel_loop3A_101 : vector<16xf32>
        %parallel_loop3A_103 = arith.index_cast %parallel_loop3A_83 : i32 to index
        %parallel_loop3A_104 = arith.constant 16 : index
        %parallel_loop3A_105 = tpu.vector_load %arg9[%parallel_loop3A_103, %parallel_loop3A_104] {strides = array<i32>} : memref<128x64xf32, #tpu.memory_space<vmem>>, vector<1x16xf32>,
        %parallel_loop3A_106 = vector.shape_cast %parallel_loop3A_105 : vector<1x16xf32> to vector<16xf32>
        %parallel_loop3A_107 = vector.shape_cast %parallel_loop3A_102 : vector<16xf32> to vector<1x16xf32>
        tpu.vector_store %arg9[%parallel_loop3A_103, %parallel_loop3A_104], %parallel_loop3A_107 {strides = array<i32>} : memref<128x64xf32, #tpu.memory_space<vmem>>, vector<1x16xf32>,
        %parallel_loop3A_108 = arith.index_cast %parallel_loop3A_83 : i32 to index
        %parallel_loop3A_109 = arith.constant 32 : index
        %parallel_loop3A_110 = tpu.vector_load %arg7[%parallel_loop3A_108, %parallel_loop3A_109] {strides = array<i32>} : memref<128x64xf32, #tpu.memory_space<vmem>>, vector<1x16xf32>,
        %parallel_loop3A_111 = vector.shape_cast %parallel_loop3A_110 : vector<1x16xf32> to vector<16xf32>
        %parallel_loop3A_112 = arith.constant 8.000000e+00 : f32
        %parallel_loop3A_113 = vector.broadcast %parallel_loop3A_112 : f32 to vector<16xf32>
        %parallel_loop3A_114 = arith.mulf %parallel_loop3A_111, %parallel_loop3A_113 : vector<16xf32>
        %parallel_loop3A_115 = arith.index_cast %parallel_loop3A_83 : i32 to index
        %parallel_loop3A_116 = arith.constant 32 : index
        %parallel_loop3A_117 = tpu.vector_load %arg9[%parallel_loop3A_115, %parallel_loop3A_116] {strides = array<i32>} : memref<128x64xf32, #tpu.memory_space<vmem>>, vector<1x16xf32>,
        %parallel_loop3A_118 = vector.shape_cast %parallel_loop3A_117 : vector<1x16xf32> to vector<16xf32>
        %parallel_loop3A_119 = vector.shape_cast %parallel_loop3A_114 : vector<16xf32> to vector<1x16xf32>
        tpu.vector_store %arg9[%parallel_loop3A_115, %parallel_loop3A_116], %parallel_loop3A_119 {strides = array<i32>} : memref<128x64xf32, #tpu.memory_space<vmem>>, vector<1x16xf32>,
        %parallel_loop3A_120 = arith.index_cast %parallel_loop3A_83 : i32 to index
        %parallel_loop3A_121 = arith.constant 48 : index
        %parallel_loop3A_122 = tpu.vector_load %arg7[%parallel_loop3A_120, %parallel_loop3A_121] {strides = array<i32>} : memref<128x64xf32, #tpu.memory_space<vmem>>, vector<1x16xf32>,
        %parallel_loop3A_123 = vector.shape_cast %parallel_loop3A_122 : vector<1x16xf32> to vector<16xf32>
        %parallel_loop3A_124 = arith.constant 8.000000e+00 : f32
        %parallel_loop3A_125 = vector.broadcast %parallel_loop3A_124 : f32 to vector<16xf32>
        %parallel_loop3A_126 = arith.mulf %parallel_loop3A_123, %parallel_loop3A_125 : vector<16xf32>
        %parallel_loop3A_127 = arith.index_cast %parallel_loop3A_83 : i32 to index
        %parallel_loop3A_128 = arith.constant 48 : index
        %parallel_loop3A_129 = tpu.vector_load %arg9[%parallel_loop3A_127, %parallel_loop3A_128] {strides = array<i32>} : memref<128x64xf32, #tpu.memory_space<vmem>>, vector<1x16xf32>,
        %parallel_loop3A_130 = vector.shape_cast %parallel_loop3A_129 : vector<1x16xf32> to vector<16xf32>
        %parallel_loop3A_131 = vector.shape_cast %parallel_loop3A_126 : vector<16xf32> to vector<1x16xf32>
        tpu.vector_store %arg9[%parallel_loop3A_127, %parallel_loop3A_128], %parallel_loop3A_131 {strides = array<i32>} : memref<128x64xf32, #tpu.memory_space<vmem>>, vector<1x16xf32>,
      } {sc.loop_unroll_factor = 8 : i64, sc.parallel_access}
      %mul3A_71 = arith.constant 128 : i32
      %mul3A_72 = arith.muli %add3A_55, %mul3A_71 : i32
      %add3A_73 = arith.addi %mul3A_2, %mul3A_72 : i32
      %dma_start3A_74 = arith.constant 0 : i32
      %dma_start3A_75 = tpu.memref_slice %arg4[%add3A_73, %dma_start3A_74] : memref<819200x128xf32, #tpu.memory_space<hbm>> -> memref<128x64xf32, #tpu.memory_space<hbm>>
      %dma_start3A_76 = arith.constant 0 : i32
      %dma_start3A_77 = tpu.memref_slice %arg4[%add3A_73, %dma_start3A_76] : memref<819200x128xf32, #tpu.memory_space<hbm>> -> memref<128x64xf32, #tpu.memory_space<hbm>>
      tpu.enqueue_dma source(%arg9 : memref<128x64xf32, #tpu.memory_space<vmem>>) target(%dma_start3A_77 : memref<128x64xf32, #tpu.memory_space<hbm>>) target_semaphore(%arg13 : memref<!tpu.dma_semaphore, #tpu.memory_space<semaphore_mem>>)
      %lt3A_78 = arith.constant 198 : i32
      %lt3A_79 = arith.cmpi slt, %add3A_55, %lt3A_78 : i32
      %convert_element_type3A_80 = arith.extui %lt3A_79 : i1 to i32
      %cond3A_81 = arith.constant 0 : i32
      %cond3A_82 = arith.cmpi ne, %convert_element_type3A_80, %cond3A_81 : i32
      scf.if %cond3A_82 {
        %add3A_83 = arith.constant 2 : i32
        %add3A_84 = arith.addi %add3A_55, %add3A_83 : i32
        %mul3A_85 = arith.constant 128 : i32
        %mul3A_86 = arith.muli %add3A_84, %mul3A_85 : i32
        %multiple_of3A_87 = tpu.assume_multiple %mul3A_86, 128 : i32
        %dma_start3A_88 = tpu.memref_slice %arg5[%multiple_of3A_87] : memref<25600xi32, #tpu.memory_space<vmem>> -> memref<128xi32, #tpu.memory_space<vmem>>
        %dma_start3A_89 = arith.constant 0 : i32
        %dma_start3A_90 = arith.constant 0 : i32
        %dma_start3A_91 = tpu.memref_slice %arg3[%dma_start3A_89, %dma_start3A_90] : memref<1007616x64xf32, #tpu.memory_space<hbm>> -> memref<1007616x64xf32, #tpu.memory_space<hbm>>
        tpu.enqueue_indirect_dma source(%dma_start3A_91 : memref<1007616x64xf32, #tpu.memory_space<hbm>>) target(%arg7 : memref<128x64xf32, #tpu.memory_space<vmem>>) offsets(%dma_start3A_88 : memref<128xi32, #tpu.memory_space<vmem>>) semaphore(%arg11 : memref<!tpu.dma_semaphore, #tpu.memory_space<semaphore_mem>>)
      } else {
      }
    }
    %scan3A_17 = arith.constant 100 : i32
    %dma_wait3A = arith.constant 0 : i32
    %dma_wait3A_18 = tpu.memref_slice %arg4[%mul3A_2, %dma_wait3A] : memref<819200x128xf32, #tpu.memory_space<hbm>> -> memref<128x64xf32, #tpu.memory_space<hbm>>
    %dma_wait3A_19 = arith.constant 0 : i32
    %dma_wait3A_20 = tpu.memref_slice %arg4[%mul3A_2, %dma_wait3A_19] : memref<819200x128xf32, #tpu.memory_space<hbm>> -> memref<128x64xf32, #tpu.memory_space<hbm>>
    tpu.wait_dma2 semaphore(%arg12 : memref<!tpu.dma_semaphore, #tpu.memory_space<semaphore_mem>>) src(%arg8 : memref<128x64xf32, #tpu.memory_space<vmem>>) dst(%dma_wait3A_20 : memref<128x64xf32, #tpu.memory_space<hbm>>)
    %dma_wait3A_21 = arith.constant 0 : i32
    %dma_wait3A_22 = tpu.memref_slice %arg4[%mul3A_2, %dma_wait3A_21] : memref<819200x128xf32, #tpu.memory_space<hbm>> -> memref<128x64xf32, #tpu.memory_space<hbm>>
    %dma_wait3A_23 = arith.constant 0 : i32
    %dma_wait3A_24 = tpu.memref_slice %arg4[%mul3A_2, %dma_wait3A_23] : memref<819200x128xf32, #tpu.memory_space<hbm>> -> memref<128x64xf32, #tpu.memory_space<hbm>>
    tpu.wait_dma2 semaphore(%arg13 : memref<!tpu.dma_semaphore, #tpu.memory_space<semaphore_mem>>) src(%arg9 : memref<128x64xf32, #tpu.memory_space<vmem>>) dst(%dma_wait3A_24 : memref<128x64xf32, #tpu.memory_space<hbm>>)
    return
  }
}

module attributes {stable_mosaic.version = 14 : i64} {
  func.func @_repack_body(%arg0: i32, %arg1: memref<64x8192xf32, #tpu.memory_space<vmem>>, %arg2: memref<4096x128xf32, #tpu.memory_space<vmem>>) attributes {dimension_semantics = [#tpu.dimension_semantics<arbitrary>], iteration_bounds = array<i64: 123>, scalar_prefetch = 0 : i64, scratch_operands = 0 : i64, tpu.core_type = #tpu.core_type<tc>, window_params = [{transform_indices = @transform_0, window_bounds = array<i64: 64, 8192>}, {transform_indices = @transform_1, window_bounds = array<i64: 4096, 128>}]} {
    %get3A = arith.constant 0 : index
    %get3A_0 = arith.constant 0 : index
    %get3A_1 = vector.load %arg1[%get3A, %get3A_0] : memref<64x8192xf32, #tpu.memory_space<vmem>>, vector<64x8192xf32>
    %slice3A = vector.extract_strided_slice %get3A_1 {offsets = [0, 0], sizes = [64, 4096], strides = [1, 1]} : vector<64x8192xf32> to vector<64x4096xf32>
    %slice3A_2 = vector.extract_strided_slice %get3A_1 {offsets = [0, 4096], sizes = [64, 4096], strides = [1, 1]} : vector<64x8192xf32> to vector<64x4096xf32>
    %concatenate3A = tpu.concatenate %slice3A, %slice3A_2 in 0 : vector<64x4096xf32>, vector<64x4096xf32> -> vector<128x4096xf32>
    %transpose3A = tpu.transpose %concatenate3A, [1, 0] : vector<128x4096xf32> -> vector<4096x128xf32>
    %swap3A = arith.constant 0 : index
    %swap3A_3 = arith.constant 0 : index
    %swap3A_4 = vector.load %arg2[%swap3A, %swap3A_3] : memref<4096x128xf32, #tpu.memory_space<vmem>>, vector<4096x128xf32>
    tpu.vector_store %arg2[%swap3A, %swap3A_3], %transpose3A {strides = array<i32>} : memref<4096x128xf32, #tpu.memory_space<vmem>>, vector<4096x128xf32>,
    return
  }
  func.func @transform_0(%arg0: i32) -> (i32, i32) {
    %c0_i32 = arith.constant 0 : i32
    %c0_i32_0 = arith.constant 0 : i32
    return %c0_i32, %arg0 : i32, i32
  }
  func.func @transform_1(%arg0: i32) -> (i32, i32) {
    %c0_i32 = arith.constant 0 : i32
    %c0_i32_0 = arith.constant 0 : i32
    return %arg0, %c0_i32 : i32, i32
  }
}

</mosaic_0001>

<sc_bundles>
// kernel: kernel.4.cloned.1.call-start
scs
__scs_entry_jumppad:
0x0: {  	(pc) =	sbr.rel $0x88, $3  }
0x1: {  	(tag) =	ssettag $0x0;
	lr =	simm.s32 $0x1  }
0x2: {  	[smem:$0x3F9F] =	sst lr;
	_ =	strace $0xD0000000  }
0x3: {  	_ = 	snop  }
0x4: {  	_ = 	snop  }
0x5: {  	_ = 	snop  }
0x6: {  	_ = 	snop  }
0x7: {  	_ = 	snop  }
__scs_overlays_trampoline_lowered:
0x8: {  	[smem:$0x3FAE] =	sst s0  }
0x9: {  	[smem:$0x3FAF] =	sst s1  }
0xa: {  	[smem:$0x3FB0] =	sst s2  }
0xb: {  	[smem:$0x3FB1] =	sst s3  }
0xc: {  	[smem:$0x3FB2] =	sst s4  }
0xd: {  	[smem:$0x3FB3] =	sst s5  }
0xe: {  	[smem:$0x3FB4] =	sst s6  }
0xf: {  	[smem:$0x3FB5] =	sst s7  }
0x10: {  	[smem:$0x3FB6] =	sst s8  }
0x11: {  	[smem:$0x3FB7] =	sst s9;
	s0 =	simm.s32 @!p0 $0x0  }
0x12: {  	s1 =	sld [smem:$0x3F9D];
	s0 =	simm.s32 @p0 $0x1  }
0x13: {  	[smem:$0x3FB8] =	sst s0;
	s0 =	simm.s32 @!p1 $0x0  }
0x14: {  	s2 =	sld [smem:$0x3F9C];
	s0 =	simm.s32 @p1 $0x1  }
0x15: {  	[smem:$0x3FB9] =	sst s0;
	s0 =	simm.s32 @!p2 $0x0  }
0x16: {  	s3 =	sld [smem:$0x3FDB];
	s0 =	simm.s32 @p2 $0x1  }
0x17: {  	s4 =	simm.s32 $0x1BF5;
	[smem:$0x3FBB] =	sst s0  }
0x18: {  	s0 =	sld [smem:$0x3F9E];
	_ =	swait.ge [sflag:s4], $0x0  }
0x19: {  	s7 =	sld [smem:$0x3F9F]  }
0x1a: {  	s8 =	sadd.s32 $0xFFFFE003, lr  }
0x1b: {  	s9 =	sadd.s32 $0xFFFFFEF7, lr;
	s5 =	simm.s32 $0xFFFFFFFF;
	p2 =	slt.u32 s8, $0xFFFFF086  }
0x1c: {  	p1 =	slt.u32 s9, $0xF7A;
	s5 =	simm.s32 @!p2 $0x0  }
0x1d: {  	s5 =	simm.s32 @p1 $0x1;
	p0 =	seq.s32 s7, s2  }
0x1e: {  	s7 =	smul.u32 @!p0 $0xF7A, s2;
	p2 =	seq.s32 @!p0 s5, $0x0  }
0x1f: {  	s9 =	smul.u32 $0xF7A, s1;
	s8 =	simm.s32 @!p0 $0x1BF5;
	p2 =	por !p2, p0  }
0x20: {  	[sflag:s8] =	ssyncset.s32 @!p0 $0xFFFFF086;
	s6 =	sadd.s32 @!p0 s3, s7;
	s7 =	simm.s32 @!p0 $0x108  }
0x21: {  	s3 =	sadd.s32 s3, s9;
	s6 =	sadd.s32 @!p0 $0x88, s6;
	s7 =	simm.s32 @p2 $0x1082  }
0x22: {  	[simem:s7], [sflag:s8] =	dma.local @!p0 [hbm:s6], $0xF7A  }
0x23: {  	s9 =	sor.u32 $0xD0000000, s2;
	s6 =	simm.s32 $0x108;
	_ =	swait.ge @!p0 [sflag:s8], $0x0  }
0x24: {  	s3 =	sadd.s32 $0x88, s3;
	s6 =	simm.s32 @!p1 $0x1082;
	[sflag:s4] =	ssyncset.s32 $0xFFFFF086  }
0x25: {  	[simem:s6], [sflag:s4] =	dma.local [hbm:s3], $0xF7A  }
0x26: {  	[smem:$0x3F9F] =	sst s1;
	(tag) =	ssettag s2;
	_ =	strace s9  }
0x27: {  	s1 =	sld [smem:$0x3FAF]  }
0x28: {  	s2 =	sld [smem:$0x3FB0]  }
0x29: {  	s4 =	sld [smem:$0x3FB2]  }
0x2a: {  	p0 =	seq.s32 s5, $0x0;
	s5 =	sld [smem:$0x3FB3]  }
0x2b: {  	s6 =	sld [smem:$0x3FB4]  }
0x2c: {  	s7 =	sld [smem:$0x3FB5]  }
0x2d: {  	s3 =	simm.s32 $0x108;
	s8 =	sld [smem:$0x3FB6]  }
0x2e: {  	s3 =	simm.s32 @!p0 $0x1082;
	s9 =	sld [smem:$0x3FB7]  }
0x2f: {  	lr =	sadd.s32 s0, s3;
	s0 =	sld [smem:$0x3FAE]  }
0x30: {  	s3 =	sld [smem:$0x3FB1]  }
0x31: {  	[smem:$0x3FBA] =	sst s10  }
0x32: {  	s10 =	sld [smem:$0x3FB8];
	_ =	sdelay $0x3  }
0x33: {  	p0 =	seq.s32 s10, $0x1;
	s10 =	sld [smem:$0x3FBA];
	_ =	sdelay $0x3  }
0x34: {  	[smem:$0x3FBA] =	sst s10  }
0x35: {  	s10 =	sld [smem:$0x3FB9];
	_ =	sdelay $0x3  }
0x36: {  	p1 =	seq.s32 s10, $0x1;
	s10 =	sld [smem:$0x3FBA];
	_ =	sdelay $0x3  }
0x37: {  	[smem:$0x3FBA] =	sst s10  }
0x38: {  	s10 =	sld [smem:$0x3FBB]  }
0x39: {  	_ = 	snop;
	(pc) =	sbr.ind lr, $3  }
0x3a: {  	_ = 	snop  }
0x3b: {  	_ = 	snop  }
0x3c: {  	p2 =	seq.s32 s10, $0x1;
	s10 =	sld [smem:$0x3FBA]  }
0x3d: {  	_ =	shalt  }
0x3e: {  	_ =	shalt  }
0x3f: {  	_ =	shalt  }
0x40: {  	_ =	shalt  }
0x41: {  	_ =	shalt  }
0x42: {  	_ =	shalt  }
0x43: {  	_ =	shalt  }
0x44: {  	_ =	shalt  }
0x45: {  	_ =	shalt  }
0x46: {  	_ =	shalt  }
0x47: {  	_ =	shalt  }
0x48: {  	_ =	shalt  }
0x49: {  	_ =	shalt  }
0x4a: {  	_ =	shalt  }
0x4b: {  	_ =	shalt  }
0x4c: {  	_ =	shalt  }
0x4d: {  	_ =	shalt  }
0x4e: {  	_ =	shalt  }
0x4f: {  	_ =	shalt  }
0x50: {  	_ =	shalt  }
0x51: {  	_ =	shalt  }
0x52: {  	_ =	shalt  }
0x53: {  	_ =	shalt  }
0x54: {  	_ =	shalt  }
0x55: {  	_ =	shalt  }
0x56: {  	_ =	shalt  }
0x57: {  	_ =	shalt  }
0x58: {  	_ =	shalt  }
0x59: {  	_ =	shalt  }
0x5a: {  	_ =	shalt  }
0x5b: {  	_ =	shalt  }
0x5c: {  	_ =	shalt  }
0x5d: {  	_ =	shalt  }
0x5e: {  	_ =	shalt  }
0x5f: {  	_ =	shalt  }
0x60: {  	_ =	shalt  }
0x61: {  	_ =	shalt  }
0x62: {  	_ =	shalt  }
0x63: {  	_ =	shalt  }
0x64: {  	_ =	shalt  }
0x65: {  	_ =	shalt  }
0x66: {  	_ =	shalt  }
0x67: {  	_ =	shalt  }
0x68: {  	_ =	shalt  }
0x69: {  	_ =	shalt  }
0x6a: {  	_ =	shalt  }
0x6b: {  	_ =	shalt  }
0x6c: {  	_ =	shalt  }
0x6d: {  	_ =	shalt  }
0x6e: {  	_ =	shalt  }
0x6f: {  	_ =	shalt  }
0x70: {  	_ =	shalt  }
0x71: {  	_ =	shalt  }
0x72: {  	_ =	shalt  }
0x73: {  	_ =	shalt  }
0x74: {  	_ =	shalt  }
0x75: {  	_ =	shalt  }
0x76: {  	_ =	shalt  }
0x77: {  	_ =	shalt  }
0x78: {  	_ =	shalt  }
0x79: {  	_ =	shalt  }
0x7a: {  	_ =	shalt  }
0x7b: {  	_ =	shalt  }
0x7c: {  	_ =	shalt  }
0x7d: {  	_ =	shalt  }
0x7e: {  	_ =	shalt  }
0x7f: {  	_ =	shalt  }
0x80: {  	_ =	shalt  }
0x81: {  	_ =	shalt  }
0x82: {  	_ =	shalt  }
0x83: {  	_ =	shalt  }
0x84: {  	_ =	shalt  }
0x85: {  	_ =	shalt  }
0x86: {  	_ =	shalt  }
0x87: {  	_ =	shalt  }
.Lfunc_end0:
.L_simem_size_0:
called_computation.1_lowered:
.L_overlay_start_0:
0x88: {  	s2 =	sld [smem:$0x3FD9]  }
0x89: {  	s3 =	sld [smem:$0x3FFE];
	_ =	sdelay $0x1  }
0x8a: {  	s1 =	srdreg.scid  }
0x8b: {  	s0 =	sand.u32 $0x1, s1  }
0x8c: {  	s17 =	sshll.u32 s0, $0xA;
	s2 =	sadd.s32 s3, s2  }
0x8d: {  	s2 =	sadd.s32 s2, s17  }
0x8e: {  	[smem:$0x3FC6] =	sst s2  }
0x8f: {  	_ = 	snop  }
0x90: {  	s2 =	sld [smem:$0x3FD0];
	(tm) =	ssettm $0x1  }
0x91: {  	s18 =	sld [smem:$0x3FFB];
	_ =	sdelay $0x3  }
0x92: {  	_ =	strace s18  }
0x93: {  	s3 =	sld [smem:$0x3FFC];
	_ =	sdelay $0x3  }
0x94: {  	_ =	strace s3  }
0x95: {  	s3 =	sld [smem:$0x3FFD];
	_ =	sdelay $0x3  }
0x96: {  	_ =	strace s3  }
0x97: {  	_ =	strace $0x8FFFFFFF  }
0x98: {  	s19 =	sld [smem:$0x3FDB];
	_ =	sdelay $0x1  }
0x99: {  	s4 =	simm.s32 $_scs_section_size  }
0x9a: {  	s5 =	simm.s32 $_size__tile_overlayer_lowered;
	s6 =	simm.s32 $_tile_overlayer_lowered  }
0x9b: {  	s22 =	simm.s32 $0x1BFF;
	s21 =	sshll.u32 s6, $0x1;
	s3 =	sadd.s32 s4, s19  }
0x9c: {  	s7 =	simm.s32 $0x0;
	s20 =	sshll.u32 s5, $0x1;
	s5 =	sadd.s32 s21, s3  }
0x9d: {  	[timem:s7], [sflag:s22] =	dma.local [hbm:s5], s20  }
0x9e: {  	_ =	swait.ge [sflag:s22], s20  }
0x9f: {  	s4 =	ssub.s32 $0x0, s20;
	[sflag:s22] =	ssyncset.done $0x0  }
0xa0: {  	[sflag:s22] =	ssyncadd.s32 s4;
	_ =	sdelay $0x1  }
0xa1: {  	s23 =	simm.s32 $0x1B8B  }
0xa2: {  	_ =	swait.ge [sflag:s23], $0x1  }
0xa3: {  	[sflag:s23] =	ssyncset.done $0x0  }
0xa4: {  	s25 =	simm.s32 $0x1B8E;
	s24 =	sld [smem:$0x3FFE];
	[sflag:s23] =	ssyncadd.s32 $0xFFFFFFFF  }
0xa5: {  	s26 =	simm.s32 $execute0_lowered;
	[smem:$0x3FD2] =	sst s25  }
0xa6: {  	s5 =	sshll.u32 s26, $0x1;
	_ =	strace $0x80000046;
	[dreg:$0x1] =	wrdreg $0xFFFFFFFF  }
0xa7: {  	s28 =	simm.s32 $_size_execute0_lowered;
	s3 =	sadd.s32 s3, s5;
	[dreg:$0x0] =	wrdreg $0x0  }
0xa8: {  	s5 =	sshll.u32 s28, $0x1;
	[dreg:$0x2] =	wrdreg s3  }
0xa9: {  	[dreg:$0x3] =	wrdreg s5  }
0xaa: {  	[dreg:$0x4] =	wrdreg $0xC0  }
0xab: {  	_ =	task [dreg:s7], $0x5FFFF  }
0xac: {  	[dreg:$0x1] =	wrdreg $0xFFFFFFFF  }
0xad: {  	[dreg:$0x0] =	wrdreg $0x60  }
0xae: {  	[dreg:$0x2] =	wrdreg s2  }
0xaf: {  	[dreg:$0x3] =	wrdreg s24  }
0xb0: {  	[dreg:$0x4] =	wrdreg $0x9  }
0xb1: {  	_ =	task.clear_ibuf [dreg:s7], $0x5FFFF;
	_ =	strace $0x90000046  }
0xb2: {  	s29 =	simm.s32 $0x9;
	_ =	strace $0x80000048  }
0xb3: {  	_ =	swait.ge [sflag:s29], $0x1  }
0xb4: {  	[sflag:s29] =	ssyncadd.s32 $0xFFFFFFFF  }
0xb5: {  	_ =	strace $0x90000048  }
0xb6: {  	_ =	sfence  }
0xb7: {  	s30 =	sld [smem:$0x0];
	_ =	sdelay $0x2  }
0xb8: {  	s31 =	sshll.u32 s1, $0xD;
	s1 =	sshrl.u32 s1, $0x2  }
0xb9: {  	s3 =	sand.u32 $0x4000, s31;
	s1 =	sadd.s32 s1, s30  }
0xba: {  	s0 =	sor.u32 s3, s0;
	s1 =	sshll.u32 s1, $0x11  }
0xbb: {  	s0 =	sor.u32 s1, s0  }
0xbc: {  	s0 =	sadd.s32 $0x8F2B, s0  }
0xbd: {  	[sflag:s0] =	ssyncadd.remote.s32 $0x1  }
0xbe: {  	_ =	sfence.sel $0xFFFF  }
0xbf: {  	[dreg:$0x0] =	wrdreg $0xFFFFFFFF;
	(pc) =	sbr.abs _section_cstart, $3  }
0xc0: {  	[dreg:$0x1] =	wrdreg $0xFFFFFFFF  }
0xc1: {  	_ =	task.clear_ibuf [dreg:s7], $0x2FFFF;
	_ =	strace $0x9FFFFFFF  }
0xc2: {  	(tm) =	ssettm $0x7FFFFFFF  }
0xc3: {  	_ =	shalt  }
tec
execute0_lowered:
.L_overlay_start_1:
0x0: {  	(tag) =	ssettag $0x1  }
0x1: {  	s6 =	rddreg [dreg:$0x0];
	s1 =	srdreg.scid  }
0x2: {  	s0 =	stileid.u32;
	s5 =	rddreg [dreg:$0x1]  }
0x3: {  	s2 =	simm.s32 $0x0;
	s10 =	simm.s32 $0x80;
	s11 =	simm.s32 $0x6400  }
0x4: {  	s12 =	simm.s32 $0x8400;
	s13 =	simm.s32 $0x1;
	s14 =	simm.s32 $0x40  }
0x5: {  	s15 =	simm.s32 $0xA400;
	s16 =	simm.s32 $0x2;
	s17 =	simm.s32 $0x4  }
0x6: {  	s18 =	simm.s32 $0xC400;
	s19 =	simm.s32 $0x3;
	s20 =	simm.s32 $0x0  }
0x7: {  	s3 =	sand.u32 $0x1, s1;
	s4 =	sshll.u32 s0, $0x1;
	s1 =	rddreg [dreg:$0x2]  }
.Ltmp0:
0x8: {  	[smem:$0x7FF] =	sst s2;
	s4 =	sor.u32 s3, s4;
	(pc) =	sbr.rel .LBB2_1-.Ltmp0, $4  }
0x9: {  	s7 =	ssub.s32 $0x2, s3;
	_ =	strace $0x80000047;
	s8 =	smul.u32 $0xC80, s4  }
0xa: {  	s9 =	sshrl.u32 s7, $0x1;
	s3 =	smul.u32 $0x320000, s4;
	s4 =	sadd.s32 $0x800, s5  }
0xb: {  	s5 =	sadd.s32 $0x7B0800, s5;
	s9 =	ssub.s32 s7, s9;
	s6 =	sadd.s32 s6, s8  }
0xc: {  	s7 =	sor.u32 $0x4000, s3;
	s8 =	smax.u32 s9, $0x1;
	s9 =	simm.s32 $0x5  }
.LBB2_12:
0xd: {  	s20 =	sadd.s32 $0x1, s20  }
0xe: {  	_ =	swait.ge [sflag:s19], $0x2000;
	p0 =	sne.s32 s20, s8  }
.Ltmp1:
0xf: {  	[sflag:s19] =	ssyncset.done $0x0;
	(pc) =	sbr.rel @!p0 .LBB2_13-.Ltmp1, $4  }
0x10: {  	[sflag:s19] =	ssyncadd.s32 $0xFFFFE000  }
0x11: {  	_ =	swait.ge [sflag:s17], $0x2000  }
0x12: {  	[sflag:s17] =	ssyncset.done $0x0  }
0x13: {  	[sflag:s17] =	ssyncadd.s32 $0xFFFFE000  }
.LBB2_1:
0x14: {  	[tilespmem:s2], [sflag:$0x5] =	stream.linear.gather [hbm4b:s6+s2], $0x6400, $0x38;
	[tilespmem:$0xE400] =	vst v63  }
0x15: {  	_ =	swait.ge [sflag:s9], $0x6400  }
0x16: {  	[sflag:s9] =	ssyncset.done $0x0  }
0x17: {  	[sflag:s9] =	ssyncadd.s32 $0xFFFF9C00  }
0x18: {  	[tilespmem:s11], [sflag:$0x1] =	stream.indirect.gather [hbm4b:s4+s10], $0x40, s2, s10, $0xb8;
	[tilespmem:$0xE400] =	vst v63  }
0x19: {  	s21 =	simm.s32 $0x0  }
0x1a: {  	[tilespmem:s12], [sflag:$0x2] =	stream.indirect.gather [hbm4b:s4+s10], $0x40, s10, s10, $0xb8;
	[tilespmem:$0xE400] =	vst v63  }
.LBB2_2:
0x1b: {  	_ =	swait.ge [sflag:s13], $0x2000  }
0x1c: {  	p0 =	seq.s32 s21, $0x0;
	[sflag:s13] =	ssyncset.done $0x0  }
0x1d: {  	s22 =	simm.s32 @!p0 $0x3;
	[sflag:s13] =	ssyncadd.s32 $0xFFFFE000  }
0x1e: {  	_ =	swait.ge @!p0 [sflag:s22], $0x2000  }
0x1f: {  	[sflag:s22] =	ssyncset.done @!p0 $0x0  }
0x20: {  	s24 =	simm.s32 $0x6500;
	[sflag:s22] =	ssyncadd.s32 @!p0 $0xFFFFE000  }
0x21: {  	v0 =	vld [tilespmem:s24+$0xC0]  }
0x22: {  	v1 =	vld [tilespmem:s24+$0xFFFFFF40]  }
0x23: {  	v2 =	vld [tilespmem:s24+$0xFFFFFF80]  }
0x24: {  	v3 =	vld [tilespmem:s24+$0xFFFFFFC0]  }
0x25: {  	v4 =	vld [tilespmem:s24+$0x0]  }
0x26: {  	v5 =	vld [tilespmem:s24+$0x40];
	v0 =	vmul.f32 $8.000000000e+00, v0  }
0x27: {  	s23 =	simm.s32 $0xA500;
	v6 =	vld [tilespmem:s24+$0x80];
	v1 =	vmul.f32 $8.000000000e+00, v1  }
0x28: {  	v7 =	vld [tilespmem:s24+$0xFFFFFF00];
	v2 =	vmul.f32 $8.000000000e+00, v2;
	[tilespmem:s23+$0xC0] =	vst v0  }
0x29: {  	[tilespmem:s23+$0xFFFFFF40] =	vst v1;
	v0 =	vmul.f32 $8.000000000e+00, v3;
	v1 =	vld [tilespmem:s24+$0xD0]  }
0x2a: {  	[tilespmem:s23+$0xFFFFFF80] =	vst v2;
	v2 =	vmul.f32 $8.000000000e+00, v4;
	v3 =	vld [tilespmem:s24+$0xFFFFFF50]  }
0x2b: {  	v4 =	vld [tilespmem:s24+$0xFFFFFF90];
	[tilespmem:s23+$0xFFFFFFC0] =	vst v0;
	v0 =	vmul.f32 $8.000000000e+00, v5  }
0x2c: {  	[tilespmem:s23+$0x0] =	vst v2;
	v2 =	vmul.f32 $8.000000000e+00, v6;
	v5 =	vld [tilespmem:s24+$0xFFFFFFD0]  }
0x2d: {  	v6 =	vmul.f32 $8.000000000e+00, v7;
	v7 =	vld [tilespmem:s24+$0x10];
	[tilespmem:s23+$0x40] =	vst v0  }
0x2e: {  	[tilespmem:s23+$0x80] =	vst v2;
	v0 =	vld [tilespmem:s24+$0x50];
	v1 =	vmul.f32 $8.000000000e+00, v1  }
0x2f: {  	[tilespmem:s23+$0xFFFFFF00] =	vst v6;
	v2 =	vmul.f32 $8.000000000e+00, v3;
	v3 =	vld [tilespmem:s24+$0x90]  }
0x30: {  	v6 =	vld [tilespmem:s24+$0xFFFFFF10];
	v4 =	vmul.f32 $8.000000000e+00, v4;
	[tilespmem:s23+$0xD0] =	vst v1  }
0x31: {  	[tilespmem:s23+$0xFFFFFF50] =	vst v2;
	v1 =	vmul.f32 $8.000000000e+00, v5;
	v2 =	vld [tilespmem:s24+$0xE0]  }
0x32: {  	[tilespmem:s23+$0xFFFFFF90] =	vst v4;
	v4 =	vmul.f32 $8.000000000e+00, v7;
	v5 =	vld [tilespmem:s24+$0xFFFFFF60]  }
0x33: {  	v7 =	vld [tilespmem:s24+$0xFFFFFFA0];
	[tilespmem:s23+$0xFFFFFFD0] =	vst v1;
	v0 =	vmul.f32 $8.000000000e+00, v0  }
0x34: {  	[tilespmem:s23+$0x10] =	vst v4;
	v1 =	vld [tilespmem:s24+$0xFFFFFFE0];
	v3 =	vmul.f32 $8.000000000e+00, v3  }
0x35: {  	v4 =	vmul.f32 $8.000000000e+00, v6;
	v6 =	vld [tilespmem:s24+$0x20];
	[tilespmem:s23+$0x50] =	vst v0  }
0x36: {  	v0 =	vld [tilespmem:s24+$0x60];
	[tilespmem:s23+$0x90] =	vst v3;
	v2 =	vmul.f32 $8.000000000e+00, v2  }
0x37: {  	[tilespmem:s23+$0xFFFFFF10] =	vst v4;
	v3 =	vmul.f32 $8.000000000e+00, v5;
	v4 =	vld [tilespmem:s24+$0xA0]  }
0x38: {  	v5 =	vld [tilespmem:s24+$0xFFFFFF20];
	v7 =	vmul.f32 $8.000000000e+00, v7;
	[tilespmem:s23+$0xE0] =	vst v2  }
0x39: {  	[tilespmem:s23+$0xFFFFFF60] =	vst v3;
	v1 =	vmul.f32 $8.000000000e+00, v1;
	v3 =	vld [tilespmem:s24+$0xF0]  }
0x3a: {  	[tilespmem:s23+$0xFFFFFFA0] =	vst v7;
	v2 =	vmul.f32 $8.000000000e+00, v6;
	v8 =	vld [tilespmem:s24+$0xFFFFFF70]  }
0x3b: {  	v7 =	vld [tilespmem:s24+$0xFFFFFFB0];
	[tilespmem:s23+$0xFFFFFFE0] =	vst v1;
	v1 =	vmul.f32 $8.000000000e+00, v0  }
0x3c: {  	[tilespmem:s23+$0x20] =	vst v2;
	v0 =	vld [tilespmem:s24+$0xFFFFFFF0];
	v4 =	vmul.f32 $8.000000000e+00, v4  }
0x3d: {  	v5 =	vmul.f32 $8.000000000e+00, v5;
	v2 =	vld [tilespmem:s24+$0x30];
	[tilespmem:s23+$0x60] =	vst v1  }
0x3e: {  	v1 =	vld [tilespmem:s24+$0x70];
	[tilespmem:s23+$0xA0] =	vst v4;
	v9 =	vmul.f32 $8.000000000e+00, v3  }
0x3f: {  	[tilespmem:s23+$0xFFFFFF20] =	vst v5;
	v3 =	vld [tilespmem:s24+$0xB0];
	v6 =	vmul.f32 $8.000000000e+00, v8  }
0x40: {  	s22 =	simm.s32 $0x0;
	v4 =	vld [tilespmem:s24+$0xFFFFFF30];
	v5 =	vmul.f32 $8.000000000e+00, v7;
	s24 =	simm.s32 $0x6700;
	[tilespmem:s23+$0xF0] =	vst v9  }
.LBB2_3:
0x41: {  	v7 =	vld [tilespmem:s24+$0xC0];
	s22 =	sadd.s32 $0x8, s22;
	[tilespmem:s23+$0xFFFFFF70] =	vst v6;
	v0 =	vmul.f32 $8.000000000e+00, v0  }
0x42: {  	v6 =	vld [tilespmem:s24+$0xFFFFFF40];
	p1 =	slt.u32 s22, $0x78;
	[tilespmem:s23+$0xFFFFFFB0] =	vst v5;
	v2 =	vmul.f32 $8.000000000e+00, v2  }
0x43: {  	v5 =	vld [tilespmem:s24+$0xFFFFFF80];
	[tilespmem:s23+$0xFFFFFFF0] =	vst v0;
	v0 =	vmul.f32 $8.000000000e+00, v1  }
0x44: {  	v1 =	vld [tilespmem:s24+$0xFFFFFFC0];
	[tilespmem:s23+$0x30] =	vst v2;
	v2 =	vmul.f32 $8.000000000e+00, v3  }
0x45: {  	v3 =	vld [tilespmem:s24+$0x0];
	v4 =	vmul.f32 $8.000000000e+00, v4;
	[tilespmem:s23+$0x70] =	vst v0  }
0x46: {  	v0 =	vld [tilespmem:s24+$0x40];
	v7 =	vmul.f32 $8.000000000e+00, v7;
	[tilespmem:s23+$0xB0] =	vst v2  }
0x47: {  	v2 =	vmul.f32 $8.000000000e+00, v6;
	v6 =	vld [tilespmem:s24+$0x80];
	[tilespmem:s23+$0xFFFFFF30] =	vst v4;
	s23 =	sadd.s32 $0x200, s23  }
0x48: {  	v4 =	vld [tilespmem:s24+$0xFFFFFF00];
	v5 =	vmul.f32 $8.000000000e+00, v5;
	[tilespmem:s23+$0xC0] =	vst v7  }
0x49: {  	[tilespmem:s23+$0xFFFFFF40] =	vst v2;
	v1 =	vmul.f32 $8.000000000e+00, v1;
	v2 =	vld [tilespmem:s24+$0xD0]  }
0x4a: {  	v7 =	vld [tilespmem:s24+$0xFFFFFF50];
	[tilespmem:s23+$0xFFFFFF80] =	vst v5;
	v3 =	vmul.f32 $8.000000000e+00, v3  }
0x4b: {  	v5 =	vld [tilespmem:s24+$0xFFFFFF90];
	[tilespmem:s23+$0xFFFFFFC0] =	vst v1;
	v0 =	vmul.f32 $8.000000000e+00, v0  }
0x4c: {  	v1 =	vld [tilespmem:s24+$0xFFFFFFD0];
	[tilespmem:s23+$0x0] =	vst v3;
	v3 =	vmul.f32 $8.000000000e+00, v6  }
0x4d: {  	v4 =	vmul.f32 $8.000000000e+00, v4;
	v6 =	vld [tilespmem:s24+$0x10];
	[tilespmem:s23+$0x40] =	vst v0  }
0x4e: {  	v0 =	vld [tilespmem:s24+$0x50];
	[tilespmem:s23+$0x80] =	vst v3;
	v2 =	vmul.f32 $8.000000000e+00, v2  }
0x4f: {  	[tilespmem:s23+$0xFFFFFF00] =	vst v4;
	v3 =	vmul.f32 $8.000000000e+00, v7;
	v4 =	vld [tilespmem:s24+$0x90]  }
0x50: {  	v7 =	vld [tilespmem:s24+$0xFFFFFF10];
	v5 =	vmul.f32 $8.000000000e+00, v5;
	[tilespmem:s23+$0xD0] =	vst v2  }
0x51: {  	[tilespmem:s23+$0xFFFFFF50] =	vst v3;
	v1 =	vmul.f32 $8.000000000e+00, v1;
	v2 =	vld [tilespmem:s24+$0xE0]  }
0x52: {  	v3 =	vld [tilespmem:s24+$0xFFFFFF60];
	[tilespmem:s23+$0xFFFFFF90] =	vst v5;
	v5 =	vmul.f32 $8.000000000e+00, v6  }
0x53: {  	v6 =	vld [tilespmem:s24+$0xFFFFFFA0];
	[tilespmem:s23+$0xFFFFFFD0] =	vst v1;
	v0 =	vmul.f32 $8.000000000e+00, v0  }
0x54: {  	v1 =	vld [tilespmem:s24+$0xFFFFFFE0];
	[tilespmem:s23+$0x10] =	vst v5;
	v4 =	vmul.f32 $8.000000000e+00, v4  }
0x55: {  	v5 =	vmul.f32 $8.000000000e+00, v7;
	v7 =	vld [tilespmem:s24+$0x20];
	[tilespmem:s23+$0x50] =	vst v0  }
0x56: {  	v0 =	vld [tilespmem:s24+$0x60];
	[tilespmem:s23+$0x90] =	vst v4;
	v2 =	vmul.f32 $8.000000000e+00, v2  }
0x57: {  	[tilespmem:s23+$0xFFFFFF10] =	vst v5;
	v3 =	vmul.f32 $8.000000000e+00, v3;
	v4 =	vld [tilespmem:s24+$0xA0]  }
0x58: {  	v5 =	vld [tilespmem:s24+$0xFFFFFF20];
	v6 =	vmul.f32 $8.000000000e+00, v6;
	[tilespmem:s23+$0xE0] =	vst v2  }
0x59: {  	[tilespmem:s23+$0xFFFFFF60] =	vst v3;
	v1 =	vmul.f32 $8.000000000e+00, v1;
	v3 =	vld [tilespmem:s24+$0xF0]  }
0x5a: {  	v8 =	vld [tilespmem:s24+$0xFFFFFF70];
	[tilespmem:s23+$0xFFFFFFA0] =	vst v6;
	v2 =	vmul.f32 $8.000000000e+00, v7  }
0x5b: {  	v7 =	vld [tilespmem:s24+$0xFFFFFFB0];
	[tilespmem:s23+$0xFFFFFFE0] =	vst v1;
	v1 =	vmul.f32 $8.000000000e+00, v0  }
.Ltmp2:
0x5c: {  	v0 =	vld [tilespmem:s24+$0xFFFFFFF0];
	[tilespmem:s23+$0x20] =	vst v2;
	v4 =	vmul.f32 $8.000000000e+00, v4;
	(pc) =	sbr.rel @p1 .LBB2_3-.Ltmp2, $4  }
0x5d: {  	v5 =	vmul.f32 $8.000000000e+00, v5;
	v2 =	vld [tilespmem:s24+$0x30];
	[tilespmem:s23+$0x60] =	vst v1  }
0x5e: {  	v1 =	vld [tilespmem:s24+$0x70];
	[tilespmem:s23+$0xA0] =	vst v4;
	v9 =	vmul.f32 $8.000000000e+00, v3  }
0x5f: {  	[tilespmem:s23+$0xFFFFFF20] =	vst v5;
	v6 =	vmul.f32 $8.000000000e+00, v8;
	v3 =	vld [tilespmem:s24+$0xB0]  }
0x60: {  	v4 =	vld [tilespmem:s24+$0xFFFFFF30];
	v5 =	vmul.f32 $8.000000000e+00, v7;
	[tilespmem:s23+$0xF0] =	vst v9;
	s24 =	sadd.s32 $0x200, s24  }
0x61: {  	[tilespmem:s23+$0xFFFFFF70] =	vst v6;
	v0 =	vmul.f32 $8.000000000e+00, v0  }
0x62: {  	[tilespmem:s23+$0xFFFFFFB0] =	vst v5;
	v2 =	vmul.f32 $8.000000000e+00, v2  }
0x63: {  	p1 =	sne.s32 s21, $0x63;
	[tilespmem:s23+$0xFFFFFFF0] =	vst v0;
	v61 =	vmul.f32 $8.000000000e+00, v1  }
.Ltmp3:
0x64: {  	s22 =	sshll.u32 s21, $0xF;
	[tilespmem:s23+$0x30] =	vst v2;
	v62 =	vmul.f32 $8.000000000e+00, v3;
	(pc) =	sbr.rel @p1 .LBB2_6-.Ltmp3, $4  }
0x65: {  	s24 =	sadd.s32 s3, s22;
	v63 =	vmul.f32 $8.000000000e+00, v4;
	[tilespmem:s23+$0x70] =	vst v61  }
0x66: {  	s24 =	sshrl.u32 s24, $0x3;
	[tilespmem:s23+$0xB0] =	vst v62  }
0x67: {  	s31 =	sadd.s32 s5, s24;
	[tilespmem:s23+$0xFFFFFF30] =	vst v63  }
0x68: {  	[hbm4b:s31+s14] =	stream.strided.scatter [tilespmem:s15], [sflag:$0x3], $0x2000, s10, s14, $0x38;
	[tilespmem:$0xE400] =	vst v63  }
.Ltmp4:
0x69: {  	(pc) =	sbr.rel .LBB2_7-.Ltmp4, $4  }
0x6a: {  	_ = 	snop  }
0x6b: {  	_ =	swait.ge [sflag:s16], $0x2000  }
0x6c: {  	[sflag:s16] =	ssyncset.done $0x0  }
0x6d: {  	[sflag:s16] =	ssyncadd.s32 $0xFFFFE000  }
.LBB2_6:
0x6e: {  	s23 =	sshll.u32 s21, $0x8  }
0x6f: {  	s23 =	sand.u32 $0x3FFFFF00, s23  }
.Ltmp5:
0x70: {  	s23 =	sadd.s32 $0x100, s23;
	(pc) =	sbr.rel @p0 .LBB2_8-.Ltmp5, $4  }
0x71: {  	[tilespmem:s11], [sflag:$0x1] =	stream.indirect.gather [hbm4b:s4+s10], $0x40, s23, s10, $0xb8;
	[tilespmem:$0xE400] =	vst v63  }
0x72: {  	_ =	swait.ge [sflag:s16], $0x2000  }
0x73: {  	[sflag:s16] =	ssyncset.done $0x0  }
0x74: {  	[sflag:s16] =	ssyncadd.s32 $0xFFFFE000  }
.LBB2_7:
0x75: {  	_ =	swait.ge [sflag:s17], $0x2000  }
0x76: {  	[sflag:s17] =	ssyncset.done $0x0  }
0x77: {  	[sflag:s17] =	ssyncadd.s32 $0xFFFFE000  }
.LBB2_8:
0x78: {  	s25 =	simm.s32 $0x8500  }
0x79: {  	v0 =	vld [tilespmem:s25+$0xC0]  }
0x7a: {  	v1 =	vld [tilespmem:s25+$0xFFFFFF40]  }
0x7b: {  	v2 =	vld [tilespmem:s25+$0xFFFFFF80]  }
0x7c: {  	v3 =	vld [tilespmem:s25+$0xFFFFFFC0]  }
0x7d: {  	v4 =	vld [tilespmem:s25+$0x0]  }
0x7e: {  	v5 =	vld [tilespmem:s25+$0x40];
	v0 =	vmul.f32 $8.000000000e+00, v0  }
0x7f: {  	s23 =	simm.s32 $0xC500;
	v6 =	vld [tilespmem:s25+$0x80];
	v1 =	vmul.f32 $8.000000000e+00, v1  }
0x80: {  	v7 =	vld [tilespmem:s25+$0xFFFFFF00];
	v2 =	vmul.f32 $8.000000000e+00, v2;
	[tilespmem:s23+$0xC0] =	vst v0  }
0x81: {  	[tilespmem:s23+$0xFFFFFF40] =	vst v1;
	v0 =	vmul.f32 $8.000000000e+00, v3;
	v1 =	vld [tilespmem:s25+$0xD0]  }
0x82: {  	[tilespmem:s23+$0xFFFFFF80] =	vst v2;
	v2 =	vmul.f32 $8.000000000e+00, v4;
	v3 =	vld [tilespmem:s25+$0xFFFFFF50]  }
0x83: {  	v4 =	vld [tilespmem:s25+$0xFFFFFF90];
	[tilespmem:s23+$0xFFFFFFC0] =	vst v0;
	v0 =	vmul.f32 $8.000000000e+00, v5  }
0x84: {  	[tilespmem:s23+$0x0] =	vst v2;
	v2 =	vmul.f32 $8.000000000e+00, v6;
	v5 =	vld [tilespmem:s25+$0xFFFFFFD0]  }
0x85: {  	v6 =	vmul.f32 $8.000000000e+00, v7;
	v7 =	vld [tilespmem:s25+$0x10];
	[tilespmem:s23+$0x40] =	vst v0  }
0x86: {  	[tilespmem:s23+$0x80] =	vst v2;
	v0 =	vld [tilespmem:s25+$0x50];
	v1 =	vmul.f32 $8.000000000e+00, v1  }
0x87: {  	[tilespmem:s23+$0xFFFFFF00] =	vst v6;
	v2 =	vmul.f32 $8.000000000e+00, v3;
	v3 =	vld [tilespmem:s25+$0x90]  }
0x88: {  	v6 =	vld [tilespmem:s25+$0xFFFFFF10];
	v4 =	vmul.f32 $8.000000000e+00, v4;
	[tilespmem:s23+$0xD0] =	vst v1  }
0x89: {  	[tilespmem:s23+$0xFFFFFF50] =	vst v2;
	v1 =	vmul.f32 $8.000000000e+00, v5;
	v2 =	vld [tilespmem:s25+$0xE0]  }
0x8a: {  	[tilespmem:s23+$0xFFFFFF90] =	vst v4;
	v4 =	vmul.f32 $8.000000000e+00, v7;
	v5 =	vld [tilespmem:s25+$0xFFFFFF60]  }
0x8b: {  	v7 =	vld [tilespmem:s25+$0xFFFFFFA0];
	[tilespmem:s23+$0xFFFFFFD0] =	vst v1;
	v0 =	vmul.f32 $8.000000000e+00, v0  }
0x8c: {  	[tilespmem:s23+$0x10] =	vst v4;
	v1 =	vld [tilespmem:s25+$0xFFFFFFE0];
	v3 =	vmul.f32 $8.000000000e+00, v3  }
0x8d: {  	v4 =	vmul.f32 $8.000000000e+00, v6;
	v6 =	vld [tilespmem:s25+$0x20];
	[tilespmem:s23+$0x50] =	vst v0  }
0x8e: {  	v0 =	vld [tilespmem:s25+$0x60];
	[tilespmem:s23+$0x90] =	vst v3;
	v2 =	vmul.f32 $8.000000000e+00, v2  }
0x8f: {  	[tilespmem:s23+$0xFFFFFF10] =	vst v4;
	v3 =	vmul.f32 $8.000000000e+00, v5;
	v4 =	vld [tilespmem:s25+$0xA0]  }
0x90: {  	v5 =	vld [tilespmem:s25+$0xFFFFFF20];
	v7 =	vmul.f32 $8.000000000e+00, v7;
	[tilespmem:s23+$0xE0] =	vst v2  }
0x91: {  	[tilespmem:s23+$0xFFFFFF60] =	vst v3;
	v1 =	vmul.f32 $8.000000000e+00, v1;
	v3 =	vld [tilespmem:s25+$0xF0]  }
0x92: {  	[tilespmem:s23+$0xFFFFFFA0] =	vst v7;
	v2 =	vmul.f32 $8.000000000e+00, v6;
	v8 =	vld [tilespmem:s25+$0xFFFFFF70]  }
0x93: {  	v7 =	vld [tilespmem:s25+$0xFFFFFFB0];
	[tilespmem:s23+$0xFFFFFFE0] =	vst v1;
	v1 =	vmul.f32 $8.000000000e+00, v0  }
0x94: {  	[tilespmem:s23+$0x20] =	vst v2;
	v0 =	vld [tilespmem:s25+$0xFFFFFFF0];
	v4 =	vmul.f32 $8.000000000e+00, v4  }
0x95: {  	v5 =	vmul.f32 $8.000000000e+00, v5;
	v2 =	vld [tilespmem:s25+$0x30];
	[tilespmem:s23+$0x60] =	vst v1  }
0x96: {  	v1 =	vld [tilespmem:s25+$0x70];
	[tilespmem:s23+$0xA0] =	vst v4;
	v9 =	vmul.f32 $8.000000000e+00, v3  }
0x97: {  	[tilespmem:s23+$0xFFFFFF20] =	vst v5;
	v3 =	vld [tilespmem:s25+$0xB0];
	v6 =	vmul.f32 $8.000000000e+00, v8  }
0x98: {  	s24 =	simm.s32 $0x0;
	v4 =	vld [tilespmem:s25+$0xFFFFFF30];
	v5 =	vmul.f32 $8.000000000e+00, v7;
	s25 =	simm.s32 $0x8700;
	[tilespmem:s23+$0xF0] =	vst v9  }
.LBB2_9:
0x99: {  	v7 =	vld [tilespmem:s25+$0xC0];
	s24 =	sadd.s32 $0x8, s24;
	[tilespmem:s23+$0xFFFFFF70] =	vst v6;
	v0 =	vmul.f32 $8.000000000e+00, v0  }
0x9a: {  	v6 =	vld [tilespmem:s25+$0xFFFFFF40];
	p0 =	slt.u32 s24, $0x78;
	[tilespmem:s23+$0xFFFFFFB0] =	vst v5;
	v2 =	vmul.f32 $8.000000000e+00, v2  }
0x9b: {  	v5 =	vld [tilespmem:s25+$0xFFFFFF80];
	[tilespmem:s23+$0xFFFFFFF0] =	vst v0;
	v0 =	vmul.f32 $8.000000000e+00, v1  }
0x9c: {  	v1 =	vld [tilespmem:s25+$0xFFFFFFC0];
	[tilespmem:s23+$0x30] =	vst v2;
	v2 =	vmul.f32 $8.000000000e+00, v3  }
0x9d: {  	v3 =	vld [tilespmem:s25+$0x0];
	v4 =	vmul.f32 $8.000000000e+00, v4;
	[tilespmem:s23+$0x70] =	vst v0  }
0x9e: {  	v0 =	vld [tilespmem:s25+$0x40];
	v7 =	vmul.f32 $8.000000000e+00, v7;
	[tilespmem:s23+$0xB0] =	vst v2  }
0x9f: {  	v2 =	vmul.f32 $8.000000000e+00, v6;
	v6 =	vld [tilespmem:s25+$0x80];
	[tilespmem:s23+$0xFFFFFF30] =	vst v4;
	s23 =	sadd.s32 $0x200, s23  }
0xa0: {  	v4 =	vld [tilespmem:s25+$0xFFFFFF00];
	v5 =	vmul.f32 $8.000000000e+00, v5;
	[tilespmem:s23+$0xC0] =	vst v7  }
0xa1: {  	[tilespmem:s23+$0xFFFFFF40] =	vst v2;
	v1 =	vmul.f32 $8.000000000e+00, v1;
	v2 =	vld [tilespmem:s25+$0xD0]  }
0xa2: {  	v7 =	vld [tilespmem:s25+$0xFFFFFF50];
	[tilespmem:s23+$0xFFFFFF80] =	vst v5;
	v3 =	vmul.f32 $8.000000000e+00, v3  }
0xa3: {  	v5 =	vld [tilespmem:s25+$0xFFFFFF90];
	[tilespmem:s23+$0xFFFFFFC0] =	vst v1;
	v0 =	vmul.f32 $8.000000000e+00, v0  }
0xa4: {  	v1 =	vld [tilespmem:s25+$0xFFFFFFD0];
	[tilespmem:s23+$0x0] =	vst v3;
	v3 =	vmul.f32 $8.000000000e+00, v6  }
0xa5: {  	v4 =	vmul.f32 $8.000000000e+00, v4;
	v6 =	vld [tilespmem:s25+$0x10];
	[tilespmem:s23+$0x40] =	vst v0  }
0xa6: {  	v0 =	vld [tilespmem:s25+$0x50];
	[tilespmem:s23+$0x80] =	vst v3;
	v2 =	vmul.f32 $8.000000000e+00, v2  }
0xa7: {  	[tilespmem:s23+$0xFFFFFF00] =	vst v4;
	v3 =	vmul.f32 $8.000000000e+00, v7;
	v4 =	vld [tilespmem:s25+$0x90]  }
0xa8: {  	v7 =	vld [tilespmem:s25+$0xFFFFFF10];
	v5 =	vmul.f32 $8.000000000e+00, v5;
	[tilespmem:s23+$0xD0] =	vst v2  }
0xa9: {  	[tilespmem:s23+$0xFFFFFF50] =	vst v3;
	v1 =	vmul.f32 $8.000000000e+00, v1;
	v2 =	vld [tilespmem:s25+$0xE0]  }
0xaa: {  	v3 =	vld [tilespmem:s25+$0xFFFFFF60];
	[tilespmem:s23+$0xFFFFFF90] =	vst v5;
	v5 =	vmul.f32 $8.000000000e+00, v6  }
0xab: {  	v6 =	vld [tilespmem:s25+$0xFFFFFFA0];
	[tilespmem:s23+$0xFFFFFFD0] =	vst v1;
	v0 =	vmul.f32 $8.000000000e+00, v0  }
0xac: {  	v1 =	vld [tilespmem:s25+$0xFFFFFFE0];
	[tilespmem:s23+$0x10] =	vst v5;
	v4 =	vmul.f32 $8.000000000e+00, v4  }
0xad: {  	v5 =	vmul.f32 $8.000000000e+00, v7;
	v7 =	vld [tilespmem:s25+$0x20];
	[tilespmem:s23+$0x50] =	vst v0  }
0xae: {  	v0 =	vld [tilespmem:s25+$0x60];
	[tilespmem:s23+$0x90] =	vst v4;
	v2 =	vmul.f32 $8.000000000e+00, v2  }
0xaf: {  	[tilespmem:s23+$0xFFFFFF10] =	vst v5;
	v3 =	vmul.f32 $8.000000000e+00, v3;
	v4 =	vld [tilespmem:s25+$0xA0]  }
0xb0: {  	v5 =	vld [tilespmem:s25+$0xFFFFFF20];
	v6 =	vmul.f32 $8.000000000e+00, v6;
	[tilespmem:s23+$0xE0] =	vst v2  }
0xb1: {  	[tilespmem:s23+$0xFFFFFF60] =	vst v3;
	v1 =	vmul.f32 $8.000000000e+00, v1;
	v3 =	vld [tilespmem:s25+$0xF0]  }
0xb2: {  	v8 =	vld [tilespmem:s25+$0xFFFFFF70];
	[tilespmem:s23+$0xFFFFFFA0] =	vst v6;
	v2 =	vmul.f32 $8.000000000e+00, v7  }
0xb3: {  	v7 =	vld [tilespmem:s25+$0xFFFFFFB0];
	[tilespmem:s23+$0xFFFFFFE0] =	vst v1;
	v1 =	vmul.f32 $8.000000000e+00, v0  }
.Ltmp6:
0xb4: {  	v0 =	vld [tilespmem:s25+$0xFFFFFFF0];
	[tilespmem:s23+$0x20] =	vst v2;
	v4 =	vmul.f32 $8.000000000e+00, v4;
	(pc) =	sbr.rel @p0 .LBB2_9-.Ltmp6, $4  }
0xb5: {  	v5 =	vmul.f32 $8.000000000e+00, v5;
	v2 =	vld [tilespmem:s25+$0x30];
	[tilespmem:s23+$0x60] =	vst v1  }
0xb6: {  	v1 =	vld [tilespmem:s25+$0x70];
	[tilespmem:s23+$0xA0] =	vst v4;
	v9 =	vmul.f32 $8.000000000e+00, v3  }
0xb7: {  	[tilespmem:s23+$0xFFFFFF20] =	vst v5;
	v6 =	vmul.f32 $8.000000000e+00, v8;
	v3 =	vld [tilespmem:s25+$0xB0]  }
0xb8: {  	v4 =	vld [tilespmem:s25+$0xFFFFFF30];
	v5 =	vmul.f32 $8.000000000e+00, v7;
	[tilespmem:s23+$0xF0] =	vst v9;
	s25 =	sadd.s32 $0x200, s25  }
0xb9: {  	[tilespmem:s23+$0xFFFFFF70] =	vst v6;
	v0 =	vmul.f32 $8.000000000e+00, v0  }
0xba: {  	[tilespmem:s23+$0xFFFFFFB0] =	vst v5;
	v2 =	vmul.f32 $8.000000000e+00, v2  }
0xbb: {  	p0 =	seq.s32 s21, $0x63;
	[tilespmem:s23+$0xFFFFFFF0] =	vst v0;
	v61 =	vmul.f32 $8.000000000e+00, v1  }
.Ltmp7:
0xbc: {  	[tilespmem:s23+$0x30] =	vst v2;
	v62 =	vmul.f32 $8.000000000e+00, v3;
	(pc) =	sbr.rel @p0 .LBB2_12-.Ltmp7, $4  }
0xbd: {  	s22 =	sadd.s32 s22, s7;
	v63 =	vmul.f32 $8.000000000e+00, v4;
	[tilespmem:s23+$0x70] =	vst v61  }
0xbe: {  	s22 =	sshrl.u32 s22, $0x3;
	[tilespmem:s23+$0xB0] =	vst v62  }
0xbf: {  	s22 =	sadd.s32 s5, s22;
	[tilespmem:s23+$0xFFFFFF30] =	vst v63  }
0xc0: {  	[hbm4b:s22+s14] =	stream.strided.scatter [tilespmem:s18], [sflag:$0x4], $0x2000, s10, s14, $0x38;
	[tilespmem:$0xE400] =	vst v63  }
.Ltmp8:
0xc1: {  	(pc) =	sbr.rel .LBB2_2-.Ltmp8, $4  }
0xc2: {  	s22 =	sshll.u32 s21, $0x8  }
0xc3: {  	s22 =	sand.u32 $0x3FFFFF00, s22  }
0xc4: {  	s21 =	sadd.s32 $0x1, s21;
	s22 =	sadd.s32 $0x180, s22  }
0xc5: {  	[tilespmem:s12], [sflag:$0x2] =	stream.indirect.gather [hbm4b:s4+s10], $0x40, s22, s10, $0xb8;
	[tilespmem:$0xE400] =	vst v63  }
.LBB2_13:
0xc6: {  	_ =	sfence.sel $0x180000  }
0xc7: {  	[bflag:$0x0] =	sbarrier.arrive $0xFFFF  }
0xc8: {  	p0 =	sne.s32 s0, $0x0;
	_ =	strace $0x90000047  }
0xc9: {  	s0 =	sadd.s32 @!p0 $0x100000, s1;
	[bflag:$0x2] =	sbarrier.arrive $0xFFFF  }
0xca: {  	[sflag:s0] =	ssyncadd.tile.s32 @!p0 $0x1;
	_ =	shalt  }
.Lfunc_end2:
_tile_overlayer_lowered:
.L_overlay_start_2:
0xcb: {  	(tag) =	ssettag $0x2  }
0xcc: {  	s0 =	rddreg [dreg:$0x0];
	s2 =	stileid.u32  }
0xcd: {  	s1 =	rddreg [dreg:$0x1];
	p0 =	sne.s32 s2, $0x0  }
0xce: {  	s3 =	rddreg [dreg:$0x2];
	[bflag:$0x3] =	sbarrier.arrive $0xFFFF;
	s2 =	simm.s32 @!p0 $0x1C05  }
0xcf: {  	[timem:s3], [sflag:s2] =	dma.local @!p0 [hbm:s0], s1  }
0xd0: {  	s0 =	simm.s32 @!p0 $0x5  }
0xd1: {  	_ =	swait.ge @!p0 [sflag:s0], s1  }
0xd2: {  	s1 =	ssub.s32 @!p0 $0x0, s1;
	[sflag:s0] =	ssyncset.done @!p0 $0x0  }
0xd3: {  	[sflag:s0] =	ssyncadd.s32 @!p0 s1  }
0xd4: {  	[bflag:$0x3] =	sbarrier.arrive $0xFFFF  }
0xd5: {  	_ =	shalt  }

// kernel: sparse-core-data-format-call.cloned.1.call-start
scs
called_computation_lowered:
.L_overlay_start_0:
0x0: {  	s2 =	sld [smem:$0x3FD9]  }
0x1: {  	s3 =	sld [smem:$0x3FFE];
	_ =	sdelay $0x1  }
0x2: {  	s1 =	srdreg.scid  }
0x3: {  	s0 =	sand.u32 $0x1, s1  }
0x4: {  	s18 =	sshll.u32 s0, $0xA;
	s2 =	sadd.s32 s3, s2  }
0x5: {  	s2 =	sadd.s32 s2, s18  }
0x6: {  	[smem:$0x3FC6] =	sst s2  }
0x7: {  	_ = 	snop  }
0x8: {  	s2 =	sld [smem:$0x3FD0];
	(tm) =	ssettm $0x1  }
0x9: {  	s19 =	sld [smem:$0x3FFB];
	_ =	sdelay $0x3  }
0xa: {  	_ =	strace s19  }
0xb: {  	s3 =	sld [smem:$0x3FFC];
	_ =	sdelay $0x3  }
0xc: {  	_ =	strace s3  }
0xd: {  	s3 =	sld [smem:$0x3FFD];
	_ =	sdelay $0x3  }
0xe: {  	_ =	strace s3  }
0xf: {  	_ =	strace $0x8FFFFFFF  }
0x10: {  	s20 =	sld [smem:$0x3FDB];
	_ =	sdelay $0x1  }
0x11: {  	s4 =	simm.s32 $_scs_section_size  }
0x12: {  	s5 =	simm.s32 $_size__tile_overlayer_lowered;
	s6 =	simm.s32 $_tile_overlayer_lowered  }
0x13: {  	s23 =	simm.s32 $0x1BFF;
	s22 =	sshll.u32 s6, $0x1;
	s3 =	sadd.s32 s4, s20  }
0x14: {  	s7 =	simm.s32 $0x0;
	s21 =	sshll.u32 s5, $0x1;
	s5 =	sadd.s32 s22, s3  }
0x15: {  	[timem:s7], [sflag:s23] =	dma.local [hbm:s5], s21  }
0x16: {  	_ =	swait.ge [sflag:s23], s21  }
0x17: {  	s4 =	ssub.s32 $0x0, s21;
	[sflag:s23] =	ssyncset.done $0x0  }
0x18: {  	[sflag:s23] =	ssyncadd.s32 s4;
	_ =	sdelay $0x1  }
0x19: {  	s24 =	simm.s32 $0x1B8B  }
0x1a: {  	_ =	swait.ge [sflag:s24], $0x1  }
0x1b: {  	[sflag:s24] =	ssyncset.done $0x0  }
0x1c: {  	s26 =	simm.s32 $0x1B8E;
	s25 =	sld [smem:$0x3FFE];
	[sflag:s24] =	ssyncadd.s32 $0xFFFFFFFF  }
0x1d: {  	s27 =	simm.s32 $execute0_lowered;
	[smem:$0x3FD2] =	sst s26  }
0x1e: {  	s5 =	sshll.u32 s27, $0x1;
	_ =	strace $0x80000049;
	[dreg:$0x1] =	wrdreg $0xFFFFFFFF  }
0x1f: {  	s28 =	simm.s32 $_size_execute0_lowered;
	s3 =	sadd.s32 s3, s5;
	[dreg:$0x0] =	wrdreg $0x0  }
0x20: {  	s5 =	sshll.u32 s28, $0x1;
	[dreg:$0x2] =	wrdreg s3  }
0x21: {  	[dreg:$0x3] =	wrdreg s5  }
0x22: {  	[dreg:$0x4] =	wrdreg $0xC0  }
0x23: {  	_ =	task [dreg:s7], $0x5FFFF  }
0x24: {  	[dreg:$0x1] =	wrdreg $0xFFFFFFFF  }
0x25: {  	[dreg:$0x0] =	wrdreg $0x60  }
0x26: {  	[dreg:$0x2] =	wrdreg s25  }
0x27: {  	[dreg:$0x3] =	wrdreg s2  }
0x28: {  	[dreg:$0x4] =	wrdreg $0x9  }
0x29: {  	_ =	task.clear_ibuf [dreg:s7], $0x5FFFF;
	_ =	strace $0x90000049  }
0x2a: {  	s29 =	simm.s32 $0x9;
	_ =	strace $0x8000004B  }
0x2b: {  	_ =	swait.ge [sflag:s29], $0x1  }
0x2c: {  	[sflag:s29] =	ssyncadd.s32 $0xFFFFFFFF  }
0x2d: {  	_ =	strace $0x9000004B  }
0x2e: {  	_ =	sfence  }
0x2f: {  	s30 =	sld [smem:$0x0];
	_ =	sdelay $0x2  }
0x30: {  	s31 =	sshll.u32 s1, $0xD;
	s1 =	sshrl.u32 s1, $0x2  }
0x31: {  	s3 =	sand.u32 $0x4000, s31;
	s1 =	sadd.s32 s1, s30  }
0x32: {  	s0 =	sor.u32 s3, s0;
	s1 =	sshll.u32 s1, $0x11  }
0x33: {  	s0 =	sor.u32 s1, s0  }
0x34: {  	s0 =	sadd.s32 $0x8F2B, s0  }
0x35: {  	[sflag:s0] =	ssyncadd.remote.s32 $0x1  }
0x36: {  	_ =	sfence.sel $0xFFFF  }
0x37: {  	[dreg:$0x0] =	wrdreg $0xFFFFFFFF;
	(pc) =	sbr.abs _section_cstart, $3  }
0x38: {  	[dreg:$0x1] =	wrdreg $0xFFFFFFFF  }
0x39: {  	_ =	task.clear_ibuf [dreg:s7], $0x2FFFF;
	_ =	strace $0x9FFFFFFF  }
0x3a: {  	(tm) =	ssettm $0x7FFFFFFF  }
0x3b: {  	_ =	shalt  }
tec
execute0_lowered:
.L_overlay_start_1:
0x0: {  	(tag) =	ssettag $0x1  }
0x1: {  	s0 =	srdreg.scid  }
0x2: {  	s1 =	sshll.u32 s0, $0x4  }
0x3: {  	s0 =	stileid.u32;
	s1 =	sand.u32 $0x10, s1  }
0x4: {  	s1 =	sor.u32 s0, s1  }
0x5: {  	s6 =	rddreg [dreg:$0x0];
	s4 =	simm.s32 $0x1;
	s2 =	sshll.u32 s1, $0x7  }
0x6: {  	s7 =	simm.s32 $0x2;
	s12 =	simm.s32 $0x0;
	s1 =	ssub.s32 $0x1000, s2  }
0x7: {  	s8 =	simm.s32 $0x8000;
	s13 =	simm.s32 $0x0;
	s3 =	sand.u32 $0xF80, s1  }
0x8: {  	s9 =	simm.s32 $0x0;
	s5 =	sshrl.u32 s1, $0xC;
	p0 =	sne.s32 s3, $0x0  }
.Ltmp0:
0x9: {  	s1 =	rddreg [dreg:$0x2];
	s4 =	simm.s32 @!p0 $0x0;
	(pc) =	sbr.rel .LBB1_1-.Ltmp0, $4  }
0xa: {  	s11 =	simm.s32 $0x0;
	s3 =	rddreg [dreg:$0x1];
	s5 =	sadd.s32 s4, s5  }
0xb: {  	_ =	strace $0x8000004A;
	s4 =	simm.s32 $0x1;
	s5 =	smul.u32 $0xC8, s5  }
0xc: {  	s6 =	sadd.s32 $0x7B0800, s6;
	s10 =	smov.u32 s2;
	[sflag:s4] =	ssyncpa.u1 $0x0  }
0xd: {  	p0 =	por $0x0, $0x0;
	[sflag:s7] =	ssyncpa.u1 $0x0;
	s7 =	sor.u32 $0x1, s5  }
.LBB1_4:
0xe: {  	s16 =	sshll.u32 s13, $0x3;
	s17 =	sand.u32 $0x78, s13  }
0xf: {  	s30 =	sand.u32 $0x7E00, s13;
	s12 =	sshll.u32 s12, $0xF;
	s16 =	sand.u32 $0xC00, s16  }
0x10: {  	[tilespmem:s15+$0x810 ss:$0x81] =	vst.msk $0xffff, v2;
	s31 =	sand.u32 $0x7, s13;
	s16 =	sor.u32 s17, s16;
	s17 =	sadd.s32 s3, s30  }
0x11: {  	[tilespmem:s15+$0x1020 ss:$0x81] =	vst.msk $0xffff, v0;
	s13 =	sshll.u32 s31, $0x12;
	s12 =	sadd.s32 s12, s17;
	s16 =	sshrl.u32 s16, $0x3  }
0x12: {  	[tilespmem:s15+$0x0 ss:$0x81] =	vst.msk $0xffff, v1;
	s13 =	sor.u32 $0x400, s13;
	s12 =	sadd.s32 s16, s12  }
0x13: {  	[hbm4b:s12+s13] =	stream.strided.scatter [tilespmem:s14], [sflag:$0x2], $0x2000, s8, s13, $0x20;
	[tilespmem:$0x8080] =	vst v63  }
.LBB1_5:
0x14: {  	s14 =	sadd.s32 $0x1, s9  }
0x15: {  	s12 =	sadd.s32 $0x1000, s10;
	s16 =	smov.u32 s10;
	p2 =	sgt.s32 s14, $0xC7  }
0x16: {  	s16 =	smov.u32 @p2 s12  }
0x17: {  	s14 =	simm.s32 @p2 $0x0;
	p2 =	sgt.s32 s16, $0xFFF  }
0x18: {  	s16 =	smov.u32 @p2 s2;
	p2 =	sne.s32 s11, s7  }
.Ltmp1:
0x19: {  	p1 =	slt.u32 s11, $0x2;
	(pc) =	sbr.rel @!p2 .LBB1_6-.Ltmp1, $4  }
0x1a: {  	s15 =	simm.s32 @!p1 $0x2  }
0x1b: {  	s13 =	smov.u32 s10;
	p0 =	por !p0, !p0;
	_ =	swait.ge @!p1 [sflag:s15], $0x2000  }
0x1c: {  	s12 =	smov.u32 s9;
	[sflag:s15] =	ssyncset.done @!p1 $0x0;
	s9 =	smov.u32 s14  }
0x1d: {  	s11 =	sadd.s32 $0x1, s11;
	[sflag:s15] =	ssyncadd.s32 @!p1 $0xFFFFE000;
	s10 =	smov.u32 s16  }
.LBB1_1:
0x1e: {  	p1 =	sge.u32 s11, s5  }
0x1f: {  	s14 =	sand.u32 @!p1 $0x1FFFFFF, s9  }
0x20: {  	s15 =	smulhi.u32 @!p1 $0x147AE15, s14;
	_ =	sdelay $0x1  }
0x21: {  	s15 =	smul.u32 @!p1 $0xC8, s15  }
0x22: {  	s16 =	sxor.u32 @!p1 $0xFFFFFFFF, s11;
	s17 =	smul.u32 @!p1 $0xC80, s10  }
0x23: {  	s31 =	sadd.s32 $0xFFFFFFFF, s11;
	s16 =	sshll.u32 @!p1 s16, $0xD;
	s14 =	ssub.s32 @!p1 s14, s15  }
0x24: {  	s15 =	sand.u32 @!p1 $0x2000, s16;
	s16 =	sadd.s32 @!p1 s6, s17;
	s14 =	sshll.u32 @!p1 s14, $0x4  }
0x25: {  	s17 =	simm.s32 @!p1 $0x6400;
	s14 =	sadd.s32 @!p1 s14, s16;
	s16 =	simm.s32 @!p1 $0x40  }
0x26: {  	[tilespmem:s15], [sflag:$0x1] =	stream.strided.gather @!p1 [hbm4b:s14+s16], $0x2000, s17, s16, $0x38;
	[tilespmem:$0x8080] =	vst v63  }
0x27: {  	p1 =	sge.u32 s31, s5  }
.Ltmp2:
0x28: {  	_ = 	snop;
	(pc) =	sbr.rel @p1 .LBB1_5-.Ltmp2, $1  }
0x29: {  	_ =	sdelay $0x3  }
0x2a: {  	s14 =	simm.s32 $0x1  }
0x2b: {  	_ =	swait.ge [sflag:s4], $0x2000;
	s14 =	simm.s32 @!p0 $0x0  }
0x2c: {  	[sflag:s4] =	ssyncset.done $0x0;
	s15 =	sshll.u32 s14, $0xD  }
0x2d: {  	[sflag:s4] =	ssyncadd.s32 $0xFFFFE000;
	s18 =	sor.u32 $0x20, s15  }
0x2e: {  	s14 =	smul.u32 $0x8100, s14;
	v3 =	vld [tilespmem:s18+$0x10]  }
0x2f: {  	s30 =	sand.u32 $0x1, s11;
	v2 =	vld [tilespmem:s18+$0xFFFFFFF0]  }
0x30: {  	s15 =	smul.u32 $0x8100, s30;
	s14 =	sshrl.u32 s14, $0x2;
	v0 =	vld [tilespmem:s18+$0x0]  }
0x31: {  	v1 =	vld [tilespmem:s18+$0xFFFFFFE0];
	s16 =	sor.u32 $0x4000, s14  }
0x32: {  	s31 =	sshrl.u32 s15, $0x2;
	s15 =	sadd.s32 $0x0, s16  }
0x33: {  	s17 =	simm.s32 $0x4;
	s18 =	sadd.s32 $0x40, s18;
	s14 =	sor.u32 $0x4000, s31;
	[tilespmem:s15+$0x1830 ss:$0x81] =	vst.msk $0xffff, v3  }
.LBB1_3:
0x34: {  	v3 =	vld [tilespmem:s18+$0x10];
	p1 =	sne.s32 s17, $0x1FC;
	[tilespmem:s15+$0x810 ss:$0x81] =	vst.msk $0xffff, v2;
	s19 =	smov.u32 s17;
	s17 =	sadd.s32 $0x4, s17  }
.Ltmp3:
0x35: {  	v2 =	vld [tilespmem:s18+$0xFFFFFFF0];
	[tilespmem:s15+$0x1020 ss:$0x81] =	vst.msk $0xffff, v0;
	(pc) =	sbr.rel @p1 .LBB1_3-.Ltmp3, $4  }
0x36: {  	v0 =	vld [tilespmem:s18+$0x0];
	[tilespmem:s15+$0x0 ss:$0x81] =	vst.msk $0xffff, v1  }
0x37: {  	s15 =	sshra.s32 s19, $0x2;
	v1 =	vld [tilespmem:s18+$0xFFFFFFE0]  }
0x38: {  	s15 =	sadd.s32 s15, s16  }
0x39: {  	s18 =	sadd.s32 $0x40, s18;
	[tilespmem:s15+$0x1830 ss:$0x81] =	vst.msk $0xffff, v3  }
.Ltmp4:
0x3a: {  	_ = 	snop;
	(pc) =	sbr.rel .LBB1_4-.Ltmp4, $1  }
0x3b: {  	_ =	sdelay $0x3  }
.LBB1_6:
0x3c: {  	_ =	sfence.sel $0x180000  }
0x3d: {  	s2 =	simm.s32 $0x1;
	[bflag:$0x0] =	sbarrier.arrive $0xFFFF  }
0x3e: {  	s31 =	simm.s32 $0x2;
	[sflag:s2] =	ssyncpa.u1 $0x1  }
0x3f: {  	[sflag:s31] =	ssyncpa.u1 $0x1  }
0x40: {  	p0 =	sne.s32 s0, $0x0;
	_ =	strace $0x9000004A  }
0x41: {  	s0 =	sadd.s32 @!p0 $0x100000, s1;
	[bflag:$0x2] =	sbarrier.arrive $0xFFFF  }
0x42: {  	[sflag:s0] =	ssyncadd.tile.s32 @!p0 $0x1;
	_ =	shalt  }
.Lfunc_end1:
_tile_overlayer_lowered:
.L_overlay_start_2:
0x43: {  	(tag) =	ssettag $0x2  }
0x44: {  	s0 =	rddreg [dreg:$0x0];
	s2 =	stileid.u32  }
0x45: {  	s1 =	rddreg [dreg:$0x1];
	p0 =	sne.s32 s2, $0x0  }
0x46: {  	s3 =	rddreg [dreg:$0x2];
	[bflag:$0x3] =	sbarrier.arrive $0xFFFF;
	s2 =	simm.s32 @!p0 $0x1C01  }
0x47: {  	[timem:s3], [sflag:s2] =	dma.local @!p0 [hbm:s0], s1  }
0x48: {  	s0 =	simm.s32 @!p0 $0x1  }
0x49: {  	_ =	swait.ge @!p0 [sflag:s0], s1  }
0x4a: {  	s1 =	ssub.s32 @!p0 $0x0, s1;
	[sflag:s0] =	ssyncset.done @!p0 $0x0  }
0x4b: {  	[sflag:s0] =	ssyncadd.s32 @!p0 s1  }
0x4c: {  	[bflag:$0x3] =	sbarrier.arrive $0xFFFF  }
0x4d: {  	_ =	shalt  }

</sc_bundles>
